<compile_context>
chip_gen: v7x
topology: tpu7x:2x2x1
jax: 0.10.2.dev20260603
libtpu: 0.0.44.dev20260713+nightly
codegen_flags: <defaults>
</compile_context>

<pallas_src>
import functools

import jax
import jax.numpy as jnp
from jax import lax
from jax.experimental import pallas as pl
from jax.experimental.pallas import tpu as pltpu
from jax.experimental.pallas import tpu_sc as plsc

NC = 2
NS = 16
NW = NC * NS

C = 16
NBUF = 4


def _embedding_call(wte, ids2d):
    Brows, S = ids2d.shape
    V, D = wte.shape
    B_total = Brows * S
    b_per_w = B_total // NW
    NCHUNK = b_per_w // C
    NSTEP = NCHUNK // NBUF
    w_per_row = S // b_per_w

    mesh = plsc.VectorSubcoreMesh(
        core_axis_name="c", subcore_axis_name="s", num_cores=NC, num_subcores=NS
    )

    @functools.partial(
        pl.kernel,
        out_type=jax.ShapeDtypeStruct((B_total, D), jnp.float32),
        mesh=mesh,
        scratch_types=[
            pltpu.VMEM((b_per_w,), jnp.int32),
            pltpu.VMEM((NBUF, C, D), jnp.float32),
        ]
        + [pltpu.SemaphoreType.DMA] * (2 * NBUF),
    )
    def body(wte_h, idx_h, out_h, idx_v, bufs, *sems):
        s_in = sems[:NBUF]
        s_out = sems[NBUF:]
        cid = lax.axis_index("c")
        sid = lax.axis_index("s")
        wid = sid * NC + cid
        base = wid * b_per_w
        row = wid // w_per_row
        col0 = (wid % w_per_row) * b_per_w

        pltpu.sync_copy(idx_h.at[row, pl.ds(col0, b_per_w)], idx_v)

        def gather(g, b):
            off = pl.multiple_of(g * C, C)
            pltpu.make_async_copy(
                wte_h.at[idx_v.at[pl.ds(off, C)]], bufs.at[b], s_in[b]
            ).start()

        for b in range(NBUF):
            gather(b, b)

        @pl.loop(0, NSTEP)
        def _(step):
            g0 = step * NBUF
            for b in range(NBUF):
                g = g0 + b
                pltpu.make_async_copy(
                    wte_h.at[idx_v.at[pl.ds(pl.multiple_of(g * C, C), C)]],
                    bufs.at[b],
                    s_in[b],
                ).wait()
                out_cp = pltpu.make_async_copy(
                    bufs.at[b],
                    out_h.at[pl.ds(base + g * C, C)],
                    s_out[b],
                )
                out_cp.start()
                out_cp.wait()

                @pl.when(g < NCHUNK - NBUF)
                def _():
                    gather(g + NBUF, b)

    return body(wte, ids2d)


def kernel(input_ids, wte):
    in_shape = input_ids.shape
    D = wte.shape[1]
    ids2d = input_ids.reshape(-1, in_shape[-1]).astype(jnp.int32)
    out = _embedding_call(wte, ids2d)
    return out.reshape(in_shape[0], in_shape[-1], D)

# --- scband reference (transcript-rebuilt; emitter-appended) ---
"""Pipeline reference for scband-embedding-42391327211699 (READ-ONLY COPY).

The authoritative reference and input builder live on the scoring server;
editing this copy changes nothing except your own understanding.
"""

import jax, jax.numpy as jnp
import numpy as np

VOCAB = 100000
N_EMBD = 1024
B, S = 4, 4096

def setup_inputs(seed: int = 0) -> dict:
    key = jax.random.key(seed)
    k_ids, k_w = jax.random.split(key)
    input_ids = jax.random.randint(k_ids, (B, S), 0, VOCAB, dtype=jnp.int64 if jax.config.jax_enable_x64 else jnp.int32)
    wte = jax.random.normal(k_w, (VOCAB, N_EMBD), dtype=jnp.float32) * 0.02
    return {"input_ids": input_ids, "wte": wte}

def reference(input_ids, wte):
    # input_ids.view(-1, last_dim)
    input_shape = input_ids.shape
    ids = input_ids.reshape(-1, input_shape[-1])
    # nn.Embedding lookup: gather rows of the table
    hidden_states = jnp.take(wte, ids, axis=0)
    # Dropout with p=0.0 / eval mode is the identity
    return hidden_states

if __name__ == "__main__":
    import jax
    _d = setup_inputs()
    print(jax.jit(kernel)(*tuple(_d.values())))

</pallas_src>

<mosaic_0001>
#map = affine_map<(d0, d1) -> (0, 0)>
module attributes {stable_mosaic.version = 14 : i64} {
  func.func @body(%arg0: i32, %arg1: i32, %arg2: memref<100000x1024xf32, #tpu.memory_space<hbm>>, %arg3: memref<4x4096xi32, #tpu.memory_space<hbm>>, %arg4: memref<16384x1024xf32, #tpu.memory_space<hbm>>, %arg5: memref<512xi32, #tpu.memory_space<vmem>>, %arg6: memref<4x16x1024xf32, #tpu.memory_space<vmem>>, %arg7: memref<!tpu.dma_semaphore, #tpu.memory_space<semaphore_mem>>, %arg8: memref<!tpu.dma_semaphore, #tpu.memory_space<semaphore_mem>>, %arg9: memref<!tpu.dma_semaphore, #tpu.memory_space<semaphore_mem>>, %arg10: memref<!tpu.dma_semaphore, #tpu.memory_space<semaphore_mem>>, %arg11: memref<!tpu.dma_semaphore, #tpu.memory_space<semaphore_mem>>, %arg12: memref<!tpu.dma_semaphore, #tpu.memory_space<semaphore_mem>>, %arg13: memref<!tpu.dma_semaphore, #tpu.memory_space<semaphore_mem>>, %arg14: memref<!tpu.dma_semaphore, #tpu.memory_space<semaphore_mem>>) attributes {dimension_semantics = [#tpu.dimension_semantics<core_parallel>, #tpu.dimension_semantics<subcore_parallel>], iteration_bounds = array<i64: 2, 16>, scalar_prefetch = 0 : i64, scratch_operands = 10 : i64, tpu.core_type = #tpu.core_type<sc_vector_subcore>, window_params = [{transform_indices = #map}, {transform_indices = #map}, {transform_indices = #map}]} {
    %mul3A = arith.constant 2 : i32
    %mul3A_0 = arith.muli %arg1, %mul3A : i32
    %add3A = arith.addi %mul3A_0, %arg0 : i32
    %mul3A_1 = arith.constant 512 : i32
    %mul3A_2 = arith.muli %add3A, %mul3A_1 : i32
    %jit3A = arith.constant 8 : i32
    %div3A = arith.divsi %add3A, %jit3A : i32
    %sign3A = arith.constant 0 : i32
    %sign3A_3 = arith.cmpi sgt, %add3A, %sign3A : i32
    %sign3A_4 = arith.extui %sign3A_3 : i1 to i32
    %sign3A_5 = arith.constant 0 : i32
    %sign3A_6 = arith.cmpi slt, %add3A, %sign3A_5 : i32
    %sign3A_7 = arith.extui %sign3A_6 : i1 to i32
    %sign3A_8 = arith.subi %sign3A_4, %sign3A_7 : i32
    %sign3A_9 = arith.constant 0 : i32
    %sign3A_10 = arith.cmpi sgt, %jit3A, %sign3A_9 : i32
    %sign3A_11 = arith.extui %sign3A_10 : i1 to i32
    %sign3A_12 = arith.constant 0 : i32
    %sign3A_13 = arith.cmpi slt, %jit3A, %sign3A_12 : i32
    %sign3A_14 = arith.extui %sign3A_13 : i1 to i32
    %sign3A_15 = arith.subi %sign3A_11, %sign3A_14 : i32
    %ne3A = arith.cmpi ne, %sign3A_8, %sign3A_15 : i32
    %rem3A = arith.remsi %add3A, %jit3A : i32
    %ne3A_16 = arith.constant 0 : i32
    %ne3A_17 = arith.cmpi ne, %rem3A, %ne3A_16 : i32
    %and3A = arith.andi %ne3A, %ne3A_17 : i1
    %sub3A = arith.constant 1 : i32
    %sub3A_18 = arith.subi %div3A, %sub3A : i32
    %select_n3A = arith.select %and3A, %sub3A_18, %div3A : i32
    %jit3A_19 = arith.constant 8 : i32
    %eq3A = arith.constant 0 : i32
    %eq3A_20 = arith.cmpi eq, %jit3A_19, %eq3A : i32
    %jit3A_21 = arith.constant 1 : i32
    %select_n3A_22 = arith.select %eq3A_20, %jit3A_21, %jit3A_19 : i32
    %rem3A_23 = arith.remsi %add3A, %select_n3A_22 : i32
    %ne3A_24 = arith.constant 0 : i32
    %ne3A_25 = arith.cmpi ne, %rem3A_23, %ne3A_24 : i32
    %lt3A = arith.constant 0 : i32
    %lt3A_26 = arith.cmpi slt, %rem3A_23, %lt3A : i32
    %lt3A_27 = arith.constant 0 : i32
    %lt3A_28 = arith.cmpi slt, %select_n3A_22, %lt3A_27 : i32
    %ne3A_29 = arith.xori %lt3A_26, %lt3A_28 : i1
    %and3A_30 = arith.andi %ne3A_29, %ne3A_25 : i1
    %add3A_31 = arith.addi %rem3A_23, %select_n3A_22 : i32
    %select_n3A_32 = arith.select %and3A_30, %add3A_31, %rem3A_23 : i32
    %mul3A_33 = arith.constant 512 : i32
    %mul3A_34 = arith.muli %select_n3A_32, %mul3A_33 : i32
    "tpu.region"() ({
      %run_scoped3A = tpu.sem_alloc : memref<!tpu.dma_semaphore, #tpu.memory_space<semaphore_mem>>
      %dma_start3A_81 = tpu.memref_slice %arg3[%select_n3A, %mul3A_34] : memref<4x4096xi32, #tpu.memory_space<hbm>> -> memref<1x512xi32, #tpu.memory_space<hbm>>
      %dma_start3A_82 = tpu.memref_squeeze %dma_start3A_81 : memref<1x512xi32, #tpu.memory_space<hbm>> -> memref<512xi32, #tpu.memory_space<hbm>>
      %dma_start3A_83 = tpu.memref_slice %arg3[%select_n3A, %mul3A_34] : memref<4x4096xi32, #tpu.memory_space<hbm>> -> memref<1x512xi32, #tpu.memory_space<hbm>>
      %dma_start3A_84 = tpu.memref_squeeze %dma_start3A_83 : memref<1x512xi32, #tpu.memory_space<hbm>> -> memref<512xi32, #tpu.memory_space<hbm>>
      tpu.enqueue_dma source(%dma_start3A_84 : memref<512xi32, #tpu.memory_space<hbm>>) target(%arg5 : memref<512xi32, #tpu.memory_space<vmem>>) target_semaphore(%run_scoped3A : memref<!tpu.dma_semaphore, #tpu.memory_space<semaphore_mem>>)
      %dma_wait3A = tpu.memref_slice %arg3[%select_n3A, %mul3A_34] : memref<4x4096xi32, #tpu.memory_space<hbm>> -> memref<1x512xi32, #tpu.memory_space<hbm>>
      %dma_wait3A_85 = tpu.memref_squeeze %dma_wait3A : memref<1x512xi32, #tpu.memory_space<hbm>> -> memref<512xi32, #tpu.memory_space<hbm>>
      %dma_wait3A_86 = tpu.memref_slice %arg3[%select_n3A, %mul3A_34] : memref<4x4096xi32, #tpu.memory_space<hbm>> -> memref<1x512xi32, #tpu.memory_space<hbm>>
      %dma_wait3A_87 = tpu.memref_squeeze %dma_wait3A_86 : memref<1x512xi32, #tpu.memory_space<hbm>> -> memref<512xi32, #tpu.memory_space<hbm>>
      tpu.wait_dma2 semaphore(%run_scoped3A : memref<!tpu.dma_semaphore, #tpu.memory_space<semaphore_mem>>) src(%dma_wait3A_87 : memref<512xi32, #tpu.memory_space<hbm>>) dst(%arg5 : memref<512xi32, #tpu.memory_space<vmem>>)
      tpu.yield
    }) : () -> ()
    %multiple_of3A = arith.constant 0 : i32
    %multiple_of3A_35 = tpu.assume_multiple %multiple_of3A, 16 : i32
    %dma_start3A = arith.constant 0 : i32
    %dma_start3A_36 = arith.constant 0 : i32
    %dma_start3A_37 = arith.constant 0 : i32
    %dma_start3A_38 = tpu.memref_slice %arg6[%dma_start3A, %dma_start3A_36, %dma_start3A_37] : memref<4x16x1024xf32, #tpu.memory_space<vmem>> -> memref<1x16x1024xf32, #tpu.memory_space<vmem>>
    %dma_start3A_39 = tpu.memref_squeeze %dma_start3A_38 : memref<1x16x1024xf32, #tpu.memory_space<vmem>> -> memref<16x1024xf32, #tpu.memory_space<vmem>>
    %dma_start3A_40 = tpu.memref_slice %arg5[%multiple_of3A_35] : memref<512xi32, #tpu.memory_space<vmem>> -> memref<16xi32, #tpu.memory_space<vmem>>
    %dma_start3A_41 = arith.constant 0 : i32
    %dma_start3A_42 = arith.constant 0 : i32
    %dma_start3A_43 = tpu.memref_slice %arg2[%dma_start3A_41, %dma_start3A_42] : memref<100000x1024xf32, #tpu.memory_space<hbm>> -> memref<100000x1024xf32, #tpu.memory_space<hbm>>
    tpu.enqueue_indirect_dma source(%dma_start3A_43 : memref<100000x1024xf32, #tpu.memory_space<hbm>>) target(%dma_start3A_39 : memref<16x1024xf32, #tpu.memory_space<vmem>>) offsets(%dma_start3A_40 : memref<16xi32, #tpu.memory_space<vmem>>) semaphore(%arg7 : memref<!tpu.dma_semaphore, #tpu.memory_space<semaphore_mem>>)
    %multiple_of3A_44 = arith.constant 16 : i32
    %multiple_of3A_45 = tpu.assume_multiple %multiple_of3A_44, 16 : i32
    %dma_start3A_46 = arith.constant 1 : i32
    %dma_start3A_47 = arith.constant 0 : i32
    %dma_start3A_48 = arith.constant 0 : i32
    %dma_start3A_49 = tpu.memref_slice %arg6[%dma_start3A_46, %dma_start3A_47, %dma_start3A_48] : memref<4x16x1024xf32, #tpu.memory_space<vmem>> -> memref<1x16x1024xf32, #tpu.memory_space<vmem>>
    %dma_start3A_50 = tpu.memref_squeeze %dma_start3A_49 : memref<1x16x1024xf32, #tpu.memory_space<vmem>> -> memref<16x1024xf32, #tpu.memory_space<vmem>>
    %dma_start3A_51 = tpu.memref_slice %arg5[%multiple_of3A_45] : memref<512xi32, #tpu.memory_space<vmem>> -> memref<16xi32, #tpu.memory_space<vmem>>
    %dma_start3A_52 = arith.constant 0 : i32
    %dma_start3A_53 = arith.constant 0 : i32
    %dma_start3A_54 = tpu.memref_slice %arg2[%dma_start3A_52, %dma_start3A_53] : memref<100000x1024xf32, #tpu.memory_space<hbm>> -> memref<100000x1024xf32, #tpu.memory_space<hbm>>
    tpu.enqueue_indirect_dma source(%dma_start3A_54 : memref<100000x1024xf32, #tpu.memory_space<hbm>>) target(%dma_start3A_50 : memref<16x1024xf32, #tpu.memory_space<vmem>>) offsets(%dma_start3A_51 : memref<16xi32, #tpu.memory_space<vmem>>) semaphore(%arg8 : memref<!tpu.dma_semaphore, #tpu.memory_space<semaphore_mem>>)
    %multiple_of3A_55 = arith.constant 32 : i32
    %multiple_of3A_56 = tpu.assume_multiple %multiple_of3A_55, 16 : i32
    %dma_start3A_57 = arith.constant 2 : i32
    %dma_start3A_58 = arith.constant 0 : i32
    %dma_start3A_59 = arith.constant 0 : i32
    %dma_start3A_60 = tpu.memref_slice %arg6[%dma_start3A_57, %dma_start3A_58, %dma_start3A_59] : memref<4x16x1024xf32, #tpu.memory_space<vmem>> -> memref<1x16x1024xf32, #tpu.memory_space<vmem>>
    %dma_start3A_61 = tpu.memref_squeeze %dma_start3A_60 : memref<1x16x1024xf32, #tpu.memory_space<vmem>> -> memref<16x1024xf32, #tpu.memory_space<vmem>>
    %dma_start3A_62 = tpu.memref_slice %arg5[%multiple_of3A_56] : memref<512xi32, #tpu.memory_space<vmem>> -> memref<16xi32, #tpu.memory_space<vmem>>
    %dma_start3A_63 = arith.constant 0 : i32
    %dma_start3A_64 = arith.constant 0 : i32
    %dma_start3A_65 = tpu.memref_slice %arg2[%dma_start3A_63, %dma_start3A_64] : memref<100000x1024xf32, #tpu.memory_space<hbm>> -> memref<100000x1024xf32, #tpu.memory_space<hbm>>
    tpu.enqueue_indirect_dma source(%dma_start3A_65 : memref<100000x1024xf32, #tpu.memory_space<hbm>>) target(%dma_start3A_61 : memref<16x1024xf32, #tpu.memory_space<vmem>>) offsets(%dma_start3A_62 : memref<16xi32, #tpu.memory_space<vmem>>) semaphore(%arg9 : memref<!tpu.dma_semaphore, #tpu.memory_space<semaphore_mem>>)
    %multiple_of3A_66 = arith.constant 48 : i32
    %multiple_of3A_67 = tpu.assume_multiple %multiple_of3A_66, 16 : i32
    %dma_start3A_68 = arith.constant 3 : i32
    %dma_start3A_69 = arith.constant 0 : i32
    %dma_start3A_70 = arith.constant 0 : i32
    %dma_start3A_71 = tpu.memref_slice %arg6[%dma_start3A_68, %dma_start3A_69, %dma_start3A_70] : memref<4x16x1024xf32, #tpu.memory_space<vmem>> -> memref<1x16x1024xf32, #tpu.memory_space<vmem>>
    %dma_start3A_72 = tpu.memref_squeeze %dma_start3A_71 : memref<1x16x1024xf32, #tpu.memory_space<vmem>> -> memref<16x1024xf32, #tpu.memory_space<vmem>>
    %dma_start3A_73 = tpu.memref_slice %arg5[%multiple_of3A_67] : memref<512xi32, #tpu.memory_space<vmem>> -> memref<16xi32, #tpu.memory_space<vmem>>
    %dma_start3A_74 = arith.constant 0 : i32
    %dma_start3A_75 = arith.constant 0 : i32
    %dma_start3A_76 = tpu.memref_slice %arg2[%dma_start3A_74, %dma_start3A_75] : memref<100000x1024xf32, #tpu.memory_space<hbm>> -> memref<100000x1024xf32, #tpu.memory_space<hbm>>
    tpu.enqueue_indirect_dma source(%dma_start3A_76 : memref<100000x1024xf32, #tpu.memory_space<hbm>>) target(%dma_start3A_72 : memref<16x1024xf32, #tpu.memory_space<vmem>>) offsets(%dma_start3A_73 : memref<16xi32, #tpu.memory_space<vmem>>) semaphore(%arg10 : memref<!tpu.dma_semaphore, #tpu.memory_space<semaphore_mem>>)
    %scan3A = arith.constant 0 : i32
    %scan3A_77 = arith.constant 8 : i32
    %scan3A_78 = arith.addi %scan3A, %scan3A_77 : i32
    %scan3A_79 = arith.constant 1 : i32
    scf.for %scan3A_81 = %scan3A to %scan3A_78 step %scan3A_79  : i32 {
      %mul3A_82 = arith.constant 1 : i32
      %mul3A_83 = arith.muli %scan3A_81, %mul3A_82 : i32
      %add3A_84 = arith.constant 0 : i32
      %add3A_85 = arith.addi %add3A_84, %mul3A_83 : i32
      %mul3A_86 = arith.constant 4 : i32
      %mul3A_87 = arith.muli %add3A_85, %mul3A_86 : i32
      %add3A_88 = arith.constant 0 : i32
      %add3A_89 = arith.addi %mul3A_87, %add3A_88 : i32
      %mul3A_90 = arith.constant 16 : i32
      %mul3A_91 = arith.muli %add3A_89, %mul3A_90 : i32
      %multiple_of3A_92 = tpu.assume_multiple %mul3A_91, 16 : i32
      %dma_wait3A = arith.constant 0 : i32
      %dma_wait3A_93 = arith.constant 0 : i32
      %dma_wait3A_94 = arith.constant 0 : i32
      %dma_wait3A_95 = tpu.memref_slice %arg6[%dma_wait3A, %dma_wait3A_93, %dma_wait3A_94] : memref<4x16x1024xf32, #tpu.memory_space<vmem>> -> memref<1x16x1024xf32, #tpu.memory_space<vmem>>
      %dma_wait3A_96 = tpu.memref_squeeze %dma_wait3A_95 : memref<1x16x1024xf32, #tpu.memory_space<vmem>> -> memref<16x1024xf32, #tpu.memory_space<vmem>>
      %dma_wait3A_97 = tpu.memref_slice %arg5[%multiple_of3A_92] : memref<512xi32, #tpu.memory_space<vmem>> -> memref<16xi32, #tpu.memory_space<vmem>>
      %dma_wait3A_98 = arith.constant 0 : i32
      %dma_wait3A_99 = arith.constant 0 : i32
      %dma_wait3A_100 = tpu.memref_slice %arg2[%dma_wait3A_98, %dma_wait3A_99] : memref<100000x1024xf32, #tpu.memory_space<hbm>> -> memref<100000x1024xf32, #tpu.memory_space<hbm>>
      tpu.wait_indirect_dma semaphore(%arg7 : memref<!tpu.dma_semaphore, #tpu.memory_space<semaphore_mem>>) src(%dma_wait3A_100 : memref<100000x1024xf32, #tpu.memory_space<hbm>>) dst(%dma_wait3A_96 : memref<16x1024xf32, #tpu.memory_space<vmem>>)
      %mul3A_101 = arith.constant 16 : i32
      %mul3A_102 = arith.muli %add3A_89, %mul3A_101 : i32
      %add3A_103 = arith.addi %mul3A_2, %mul3A_102 : i32
      %dma_start3A_104 = arith.constant 0 : i32
      %dma_start3A_105 = arith.constant 0 : i32
      %dma_start3A_106 = arith.constant 0 : i32
      %dma_start3A_107 = tpu.memref_slice %arg6[%dma_start3A_104, %dma_start3A_105, %dma_start3A_106] : memref<4x16x1024xf32, #tpu.memory_space<vmem>> -> memref<1x16x1024xf32, #tpu.memory_space<vmem>>
      %dma_start3A_108 = tpu.memref_squeeze %dma_start3A_107 : memref<1x16x1024xf32, #tpu.memory_space<vmem>> -> memref<16x1024xf32, #tpu.memory_space<vmem>>
      %dma_start3A_109 = arith.constant 0 : i32
      %dma_start3A_110 = tpu.memref_slice %arg4[%add3A_103, %dma_start3A_109] : memref<16384x1024xf32, #tpu.memory_space<hbm>> -> memref<16x1024xf32, #tpu.memory_space<hbm>>
      %dma_start3A_111 = arith.constant 0 : i32
      %dma_start3A_112 = tpu.memref_slice %arg4[%add3A_103, %dma_start3A_111] : memref<16384x1024xf32, #tpu.memory_space<hbm>> -> memref<16x1024xf32, #tpu.memory_space<hbm>>
      %dma_start3A_113 = arith.constant 0 : i32
      %dma_start3A_114 = arith.constant 0 : i32
      %dma_start3A_115 = tpu.memref_slice %arg6[%dma_start3A_104, %dma_start3A_113, %dma_start3A_114] : memref<4x16x1024xf32, #tpu.memory_space<vmem>> -> memref<1x16x1024xf32, #tpu.memory_space<vmem>>
      %dma_start3A_116 = tpu.memref_squeeze %dma_start3A_115 : memref<1x16x1024xf32, #tpu.memory_space<vmem>> -> memref<16x1024xf32, #tpu.memory_space<vmem>>
      tpu.enqueue_dma source(%dma_start3A_116 : memref<16x1024xf32, #tpu.memory_space<vmem>>) target(%dma_start3A_112 : memref<16x1024xf32, #tpu.memory_space<hbm>>) target_semaphore(%arg11 : memref<!tpu.dma_semaphore, #tpu.memory_space<semaphore_mem>>)
      %dma_wait3A_117 = arith.constant 0 : i32
      %dma_wait3A_118 = arith.constant 0 : i32
      %dma_wait3A_119 = arith.constant 0 : i32
      %dma_wait3A_120 = tpu.memref_slice %arg6[%dma_wait3A_117, %dma_wait3A_118, %dma_wait3A_119] : memref<4x16x1024xf32, #tpu.memory_space<vmem>> -> memref<1x16x1024xf32, #tpu.memory_space<vmem>>
      %dma_wait3A_121 = tpu.memref_squeeze %dma_wait3A_120 : memref<1x16x1024xf32, #tpu.memory_space<vmem>> -> memref<16x1024xf32, #tpu.memory_space<vmem>>
      %dma_wait3A_122 = arith.constant 0 : i32
      %dma_wait3A_123 = tpu.memref_slice %arg4[%add3A_103, %dma_wait3A_122] : memref<16384x1024xf32, #tpu.memory_space<hbm>> -> memref<16x1024xf32, #tpu.memory_space<hbm>>
      %dma_wait3A_124 = arith.constant 0 : i32
      %dma_wait3A_125 = tpu.memref_slice %arg4[%add3A_103, %dma_wait3A_124] : memref<16384x1024xf32, #tpu.memory_space<hbm>> -> memref<16x1024xf32, #tpu.memory_space<hbm>>
      %dma_wait3A_126 = arith.constant 0 : i32
      %dma_wait3A_127 = arith.constant 0 : i32
      %dma_wait3A_128 = tpu.memref_slice %arg6[%dma_wait3A_117, %dma_wait3A_126, %dma_wait3A_127] : memref<4x16x1024xf32, #tpu.memory_space<vmem>> -> memref<1x16x1024xf32, #tpu.memory_space<vmem>>
      %dma_wait3A_129 = tpu.memref_squeeze %dma_wait3A_128 : memref<1x16x1024xf32, #tpu.memory_space<vmem>> -> memref<16x1024xf32, #tpu.memory_space<vmem>>
      tpu.wait_dma2 semaphore(%arg11 : memref<!tpu.dma_semaphore, #tpu.memory_space<semaphore_mem>>) src(%dma_wait3A_129 : memref<16x1024xf32, #tpu.memory_space<vmem>>) dst(%dma_wait3A_125 : memref<16x1024xf32, #tpu.memory_space<hbm>>)
      %lt3A_130 = arith.constant 28 : i32
      %lt3A_131 = arith.cmpi slt, %add3A_89, %lt3A_130 : i32
      %convert_element_type3A = arith.extui %lt3A_131 : i1 to i32
      %cond3A = arith.constant 0 : i32
      %cond3A_132 = arith.cmpi ne, %convert_element_type3A, %cond3A : i32
      scf.if %cond3A_132 {
        %add3A_277 = arith.constant 4 : i32
        %add3A_278 = arith.addi %add3A_89, %add3A_277 : i32
        %mul3A_279 = arith.constant 16 : i32
        %mul3A_280 = arith.muli %add3A_278, %mul3A_279 : i32
        %multiple_of3A_281 = tpu.assume_multiple %mul3A_280, 16 : i32
        %dma_start3A_282 = arith.constant 0 : i32
        %dma_start3A_283 = arith.constant 0 : i32
        %dma_start3A_284 = arith.constant 0 : i32
        %dma_start3A_285 = tpu.memref_slice %arg6[%dma_start3A_282, %dma_start3A_283, %dma_start3A_284] : memref<4x16x1024xf32, #tpu.memory_space<vmem>> -> memref<1x16x1024xf32, #tpu.memory_space<vmem>>
        %dma_start3A_286 = tpu.memref_squeeze %dma_start3A_285 : memref<1x16x1024xf32, #tpu.memory_space<vmem>> -> memref<16x1024xf32, #tpu.memory_space<vmem>>
        %dma_start3A_287 = tpu.memref_slice %arg5[%multiple_of3A_281] : memref<512xi32, #tpu.memory_space<vmem>> -> memref<16xi32, #tpu.memory_space<vmem>>
        %dma_start3A_288 = arith.constant 0 : i32
        %dma_start3A_289 = arith.constant 0 : i32
        %dma_start3A_290 = tpu.memref_slice %arg2[%dma_start3A_288, %dma_start3A_289] : memref<100000x1024xf32, #tpu.memory_space<hbm>> -> memref<100000x1024xf32, #tpu.memory_space<hbm>>
        tpu.enqueue_indirect_dma source(%dma_start3A_290 : memref<100000x1024xf32, #tpu.memory_space<hbm>>) target(%dma_start3A_286 : memref<16x1024xf32, #tpu.memory_space<vmem>>) offsets(%dma_start3A_287 : memref<16xi32, #tpu.memory_space<vmem>>) semaphore(%arg7 : memref<!tpu.dma_semaphore, #tpu.memory_space<semaphore_mem>>)
      } else {
      }
      %add3A_133 = arith.constant 1 : i32
      %add3A_134 = arith.addi %mul3A_87, %add3A_133 : i32
      %mul3A_135 = arith.constant 16 : i32
      %mul3A_136 = arith.muli %add3A_134, %mul3A_135 : i32
      %multiple_of3A_137 = tpu.assume_multiple %mul3A_136, 16 : i32
      %dma_wait3A_138 = arith.constant 1 : i32
      %dma_wait3A_139 = arith.constant 0 : i32
      %dma_wait3A_140 = arith.constant 0 : i32
      %dma_wait3A_141 = tpu.memref_slice %arg6[%dma_wait3A_138, %dma_wait3A_139, %dma_wait3A_140] : memref<4x16x1024xf32, #tpu.memory_space<vmem>> -> memref<1x16x1024xf32, #tpu.memory_space<vmem>>
      %dma_wait3A_142 = tpu.memref_squeeze %dma_wait3A_141 : memref<1x16x1024xf32, #tpu.memory_space<vmem>> -> memref<16x1024xf32, #tpu.memory_space<vmem>>
      %dma_wait3A_143 = tpu.memref_slice %arg5[%multiple_of3A_137] : memref<512xi32, #tpu.memory_space<vmem>> -> memref<16xi32, #tpu.memory_space<vmem>>
      %dma_wait3A_144 = arith.constant 0 : i32
      %dma_wait3A_145 = arith.constant 0 : i32
      %dma_wait3A_146 = tpu.memref_slice %arg2[%dma_wait3A_144, %dma_wait3A_145] : memref<100000x1024xf32, #tpu.memory_space<hbm>> -> memref<100000x1024xf32, #tpu.memory_space<hbm>>
      tpu.wait_indirect_dma semaphore(%arg8 : memref<!tpu.dma_semaphore, #tpu.memory_space<semaphore_mem>>) src(%dma_wait3A_146 : memref<100000x1024xf32, #tpu.memory_space<hbm>>) dst(%dma_wait3A_142 : memref<16x1024xf32, #tpu.memory_space<vmem>>)
      %mul3A_147 = arith.constant 16 : i32
      %mul3A_148 = arith.muli %add3A_134, %mul3A_147 : i32
      %add3A_149 = arith.addi %mul3A_2, %mul3A_148 : i32
      %dma_start3A_150 = arith.constant 1 : i32
      %dma_start3A_151 = arith.constant 0 : i32
      %dma_start3A_152 = arith.constant 0 : i32
      %dma_start3A_153 = tpu.memref_slice %arg6[%dma_start3A_150, %dma_start3A_151, %dma_start3A_152] : memref<4x16x1024xf32, #tpu.memory_space<vmem>> -> memref<1x16x1024xf32, #tpu.memory_space<vmem>>
      %dma_start3A_154 = tpu.memref_squeeze %dma_start3A_153 : memref<1x16x1024xf32, #tpu.memory_space<vmem>> -> memref<16x1024xf32, #tpu.memory_space<vmem>>
      %dma_start3A_155 = arith.constant 0 : i32
      %dma_start3A_156 = tpu.memref_slice %arg4[%add3A_149, %dma_start3A_155] : memref<16384x1024xf32, #tpu.memory_space<hbm>> -> memref<16x1024xf32, #tpu.memory_space<hbm>>
      %dma_start3A_157 = arith.constant 0 : i32
      %dma_start3A_158 = tpu.memref_slice %arg4[%add3A_149, %dma_start3A_157] : memref<16384x1024xf32, #tpu.memory_space<hbm>> -> memref<16x1024xf32, #tpu.memory_space<hbm>>
      %dma_start3A_159 = arith.constant 0 : i32
      %dma_start3A_160 = arith.constant 0 : i32
      %dma_start3A_161 = tpu.memref_slice %arg6[%dma_start3A_150, %dma_start3A_159, %dma_start3A_160] : memref<4x16x1024xf32, #tpu.memory_space<vmem>> -> memref<1x16x1024xf32, #tpu.memory_space<vmem>>
      %dma_start3A_162 = tpu.memref_squeeze %dma_start3A_161 : memref<1x16x1024xf32, #tpu.memory_space<vmem>> -> memref<16x1024xf32, #tpu.memory_space<vmem>>
      tpu.enqueue_dma source(%dma_start3A_162 : memref<16x1024xf32, #tpu.memory_space<vmem>>) target(%dma_start3A_158 : memref<16x1024xf32, #tpu.memory_space<hbm>>) target_semaphore(%arg12 : memref<!tpu.dma_semaphore, #tpu.memory_space<semaphore_mem>>)
      %dma_wait3A_163 = arith.constant 1 : i32
      %dma_wait3A_164 = arith.constant 0 : i32
      %dma_wait3A_165 = arith.constant 0 : i32
      %dma_wait3A_166 = tpu.memref_slice %arg6[%dma_wait3A_163, %dma_wait3A_164, %dma_wait3A_165] : memref<4x16x1024xf32, #tpu.memory_space<vmem>> -> memref<1x16x1024xf32, #tpu.memory_space<vmem>>
      %dma_wait3A_167 = tpu.memref_squeeze %dma_wait3A_166 : memref<1x16x1024xf32, #tpu.memory_space<vmem>> -> memref<16x1024xf32, #tpu.memory_space<vmem>>
      %dma_wait3A_168 = arith.constant 0 : i32
      %dma_wait3A_169 = tpu.memref_slice %arg4[%add3A_149, %dma_wait3A_168] : memref<16384x1024xf32, #tpu.memory_space<hbm>> -> memref<16x1024xf32, #tpu.memory_space<hbm>>
      %dma_wait3A_170 = arith.constant 0 : i32
      %dma_wait3A_171 = tpu.memref_slice %arg4[%add3A_149, %dma_wait3A_170] : memref<16384x1024xf32, #tpu.memory_space<hbm>> -> memref<16x1024xf32, #tpu.memory_space<hbm>>
      %dma_wait3A_172 = arith.constant 0 : i32
      %dma_wait3A_173 = arith.constant 0 : i32
      %dma_wait3A_174 = tpu.memref_slice %arg6[%dma_wait3A_163, %dma_wait3A_172, %dma_wait3A_173] : memref<4x16x1024xf32, #tpu.memory_space<vmem>> -> memref<1x16x1024xf32, #tpu.memory_space<vmem>>
      %dma_wait3A_175 = tpu.memref_squeeze %dma_wait3A_174 : memref<1x16x1024xf32, #tpu.memory_space<vmem>> -> memref<16x1024xf32, #tpu.memory_space<vmem>>
      tpu.wait_dma2 semaphore(%arg12 : memref<!tpu.dma_semaphore, #tpu.memory_space<semaphore_mem>>) src(%dma_wait3A_175 : memref<16x1024xf32, #tpu.memory_space<vmem>>) dst(%dma_wait3A_171 : memref<16x1024xf32, #tpu.memory_space<hbm>>)
      %lt3A_176 = arith.constant 28 : i32
      %lt3A_177 = arith.cmpi slt, %add3A_134, %lt3A_176 : i32
      %convert_element_type3A_178 = arith.extui %lt3A_177 : i1 to i32
      %cond3A_179 = arith.constant 0 : i32
      %cond3A_180 = arith.cmpi ne, %convert_element_type3A_178, %cond3A_179 : i32
      scf.if %cond3A_180 {
        %add3A_277 = arith.constant 4 : i32
        %add3A_278 = arith.addi %add3A_134, %add3A_277 : i32
        %mul3A_279 = arith.constant 16 : i32
        %mul3A_280 = arith.muli %add3A_278, %mul3A_279 : i32
        %multiple_of3A_281 = tpu.assume_multiple %mul3A_280, 16 : i32
        %dma_start3A_282 = arith.constant 1 : i32
        %dma_start3A_283 = arith.constant 0 : i32
        %dma_start3A_284 = arith.constant 0 : i32
        %dma_start3A_285 = tpu.memref_slice %arg6[%dma_start3A_282, %dma_start3A_283, %dma_start3A_284] : memref<4x16x1024xf32, #tpu.memory_space<vmem>> -> memref<1x16x1024xf32, #tpu.memory_space<vmem>>
        %dma_start3A_286 = tpu.memref_squeeze %dma_start3A_285 : memref<1x16x1024xf32, #tpu.memory_space<vmem>> -> memref<16x1024xf32, #tpu.memory_space<vmem>>
        %dma_start3A_287 = tpu.memref_slice %arg5[%multiple_of3A_281] : memref<512xi32, #tpu.memory_space<vmem>> -> memref<16xi32, #tpu.memory_space<vmem>>
        %dma_start3A_288 = arith.constant 0 : i32
        %dma_start3A_289 = arith.constant 0 : i32
        %dma_start3A_290 = tpu.memref_slice %arg2[%dma_start3A_288, %dma_start3A_289] : memref<100000x1024xf32, #tpu.memory_space<hbm>> -> memref<100000x1024xf32, #tpu.memory_space<hbm>>
        tpu.enqueue_indirect_dma source(%dma_start3A_290 : memref<100000x1024xf32, #tpu.memory_space<hbm>>) target(%dma_start3A_286 : memref<16x1024xf32, #tpu.memory_space<vmem>>) offsets(%dma_start3A_287 : memref<16xi32, #tpu.memory_space<vmem>>) semaphore(%arg8 : memref<!tpu.dma_semaphore, #tpu.memory_space<semaphore_mem>>)
      } else {
      }
      %add3A_181 = arith.constant 2 : i32
      %add3A_182 = arith.addi %mul3A_87, %add3A_181 : i32
      %mul3A_183 = arith.constant 16 : i32
      %mul3A_184 = arith.muli %add3A_182, %mul3A_183 : i32
      %multiple_of3A_185 = tpu.assume_multiple %mul3A_184, 16 : i32
      %dma_wait3A_186 = arith.constant 2 : i32
      %dma_wait3A_187 = arith.constant 0 : i32
      %dma_wait3A_188 = arith.constant 0 : i32
      %dma_wait3A_189 = tpu.memref_slice %arg6[%dma_wait3A_186, %dma_wait3A_187, %dma_wait3A_188] : memref<4x16x1024xf32, #tpu.memory_space<vmem>> -> memref<1x16x1024xf32, #tpu.memory_space<vmem>>
      %dma_wait3A_190 = tpu.memref_squeeze %dma_wait3A_189 : memref<1x16x1024xf32, #tpu.memory_space<vmem>> -> memref<16x1024xf32, #tpu.memory_space<vmem>>
      %dma_wait3A_191 = tpu.memref_slice %arg5[%multiple_of3A_185] : memref<512xi32, #tpu.memory_space<vmem>> -> memref<16xi32, #tpu.memory_space<vmem>>
      %dma_wait3A_192 = arith.constant 0 : i32
      %dma_wait3A_193 = arith.constant 0 : i32
      %dma_wait3A_194 = tpu.memref_slice %arg2[%dma_wait3A_192, %dma_wait3A_193] : memref<100000x1024xf32, #tpu.memory_space<hbm>> -> memref<100000x1024xf32, #tpu.memory_space<hbm>>
      tpu.wait_indirect_dma semaphore(%arg9 : memref<!tpu.dma_semaphore, #tpu.memory_space<semaphore_mem>>) src(%dma_wait3A_194 : memref<100000x1024xf32, #tpu.memory_space<hbm>>) dst(%dma_wait3A_190 : memref<16x1024xf32, #tpu.memory_space<vmem>>)
      %mul3A_195 = arith.constant 16 : i32
      %mul3A_196 = arith.muli %add3A_182, %mul3A_195 : i32
      %add3A_197 = arith.addi %mul3A_2, %mul3A_196 : i32
      %dma_start3A_198 = arith.constant 2 : i32
      %dma_start3A_199 = arith.constant 0 : i32
      %dma_start3A_200 = arith.constant 0 : i32
      %dma_start3A_201 = tpu.memref_slice %arg6[%dma_start3A_198, %dma_start3A_199, %dma_start3A_200] : memref<4x16x1024xf32, #tpu.memory_space<vmem>> -> memref<1x16x1024xf32, #tpu.memory_space<vmem>>
      %dma_start3A_202 = tpu.memref_squeeze %dma_start3A_201 : memref<1x16x1024xf32, #tpu.memory_space<vmem>> -> memref<16x1024xf32, #tpu.memory_space<vmem>>
      %dma_start3A_203 = arith.constant 0 : i32
      %dma_start3A_204 = tpu.memref_slice %arg4[%add3A_197, %dma_start3A_203] : memref<16384x1024xf32, #tpu.memory_space<hbm>> -> memref<16x1024xf32, #tpu.memory_space<hbm>>
      %dma_start3A_205 = arith.constant 0 : i32
      %dma_start3A_206 = tpu.memref_slice %arg4[%add3A_197, %dma_start3A_205] : memref<16384x1024xf32, #tpu.memory_space<hbm>> -> memref<16x1024xf32, #tpu.memory_space<hbm>>
      %dma_start3A_207 = arith.constant 0 : i32
      %dma_start3A_208 = arith.constant 0 : i32
      %dma_start3A_209 = tpu.memref_slice %arg6[%dma_start3A_198, %dma_start3A_207, %dma_start3A_208] : memref<4x16x1024xf32, #tpu.memory_space<vmem>> -> memref<1x16x1024xf32, #tpu.memory_space<vmem>>
      %dma_start3A_210 = tpu.memref_squeeze %dma_start3A_209 : memref<1x16x1024xf32, #tpu.memory_space<vmem>> -> memref<16x1024xf32, #tpu.memory_space<vmem>>
      tpu.enqueue_dma source(%dma_start3A_210 : memref<16x1024xf32, #tpu.memory_space<vmem>>) target(%dma_start3A_206 : memref<16x1024xf32, #tpu.memory_space<hbm>>) target_semaphore(%arg13 : memref<!tpu.dma_semaphore, #tpu.memory_space<semaphore_mem>>)
      %dma_wait3A_211 = arith.constant 2 : i32
      %dma_wait3A_212 = arith.constant 0 : i32
      %dma_wait3A_213 = arith.constant 0 : i32
      %dma_wait3A_214 = tpu.memref_slice %arg6[%dma_wait3A_211, %dma_wait3A_212, %dma_wait3A_213] : memref<4x16x1024xf32, #tpu.memory_space<vmem>> -> memref<1x16x1024xf32, #tpu.memory_space<vmem>>
      %dma_wait3A_215 = tpu.memref_squeeze %dma_wait3A_214 : memref<1x16x1024xf32, #tpu.memory_space<vmem>> -> memref<16x1024xf32, #tpu.memory_space<vmem>>
      %dma_wait3A_216 = arith.constant 0 : i32
      %dma_wait3A_217 = tpu.memref_slice %arg4[%add3A_197, %dma_wait3A_216] : memref<16384x1024xf32, #tpu.memory_space<hbm>> -> memref<16x1024xf32, #tpu.memory_space<hbm>>
      %dma_wait3A_218 = arith.constant 0 : i32
      %dma_wait3A_219 = tpu.memref_slice %arg4[%add3A_197, %dma_wait3A_218] : memref<16384x1024xf32, #tpu.memory_space<hbm>> -> memref<16x1024xf32, #tpu.memory_space<hbm>>
      %dma_wait3A_220 = arith.constant 0 : i32
      %dma_wait3A_221 = arith.constant 0 : i32
      %dma_wait3A_222 = tpu.memref_slice %arg6[%dma_wait3A_211, %dma_wait3A_220, %dma_wait3A_221] : memref<4x16x1024xf32, #tpu.memory_space<vmem>> -> memref<1x16x1024xf32, #tpu.memory_space<vmem>>
      %dma_wait3A_223 = tpu.memref_squeeze %dma_wait3A_222 : memref<1x16x1024xf32, #tpu.memory_space<vmem>> -> memref<16x1024xf32, #tpu.memory_space<vmem>>
      tpu.wait_dma2 semaphore(%arg13 : memref<!tpu.dma_semaphore, #tpu.memory_space<semaphore_mem>>) src(%dma_wait3A_223 : memref<16x1024xf32, #tpu.memory_space<vmem>>) dst(%dma_wait3A_219 : memref<16x1024xf32, #tpu.memory_space<hbm>>)
      %lt3A_224 = arith.constant 28 : i32
      %lt3A_225 = arith.cmpi slt, %add3A_182, %lt3A_224 : i32
      %convert_element_type3A_226 = arith.extui %lt3A_225 : i1 to i32
      %cond3A_227 = arith.constant 0 : i32
      %cond3A_228 = arith.cmpi ne, %convert_element_type3A_226, %cond3A_227 : i32
      scf.if %cond3A_228 {
        %add3A_277 = arith.constant 4 : i32
        %add3A_278 = arith.addi %add3A_182, %add3A_277 : i32
        %mul3A_279 = arith.constant 16 : i32
        %mul3A_280 = arith.muli %add3A_278, %mul3A_279 : i32
        %multiple_of3A_281 = tpu.assume_multiple %mul3A_280, 16 : i32
        %dma_start3A_282 = arith.constant 2 : i32
        %dma_start3A_283 = arith.constant 0 : i32
        %dma_start3A_284 = arith.constant 0 : i32
        %dma_start3A_285 = tpu.memref_slice %arg6[%dma_start3A_282, %dma_start3A_283, %dma_start3A_284] : memref<4x16x1024xf32, #tpu.memory_space<vmem>> -> memref<1x16x1024xf32, #tpu.memory_space<vmem>>
        %dma_start3A_286 = tpu.memref_squeeze %dma_start3A_285 : memref<1x16x1024xf32, #tpu.memory_space<vmem>> -> memref<16x1024xf32, #tpu.memory_space<vmem>>
        %dma_start3A_287 = tpu.memref_slice %arg5[%multiple_of3A_281] : memref<512xi32, #tpu.memory_space<vmem>> -> memref<16xi32, #tpu.memory_space<vmem>>
        %dma_start3A_288 = arith.constant 0 : i32
        %dma_start3A_289 = arith.constant 0 : i32
        %dma_start3A_290 = tpu.memref_slice %arg2[%dma_start3A_288, %dma_start3A_289] : memref<100000x1024xf32, #tpu.memory_space<hbm>> -> memref<100000x1024xf32, #tpu.memory_space<hbm>>
        tpu.enqueue_indirect_dma source(%dma_start3A_290 : memref<100000x1024xf32, #tpu.memory_space<hbm>>) target(%dma_start3A_286 : memref<16x1024xf32, #tpu.memory_space<vmem>>) offsets(%dma_start3A_287 : memref<16xi32, #tpu.memory_space<vmem>>) semaphore(%arg9 : memref<!tpu.dma_semaphore, #tpu.memory_space<semaphore_mem>>)
      } else {
      }
      %add3A_229 = arith.constant 3 : i32
      %add3A_230 = arith.addi %mul3A_87, %add3A_229 : i32
      %mul3A_231 = arith.constant 16 : i32
      %mul3A_232 = arith.muli %add3A_230, %mul3A_231 : i32
      %multiple_of3A_233 = tpu.assume_multiple %mul3A_232, 16 : i32
      %dma_wait3A_234 = arith.constant 3 : i32
      %dma_wait3A_235 = arith.constant 0 : i32
      %dma_wait3A_236 = arith.constant 0 : i32
      %dma_wait3A_237 = tpu.memref_slice %arg6[%dma_wait3A_234, %dma_wait3A_235, %dma_wait3A_236] : memref<4x16x1024xf32, #tpu.memory_space<vmem>> -> memref<1x16x1024xf32, #tpu.memory_space<vmem>>
      %dma_wait3A_238 = tpu.memref_squeeze %dma_wait3A_237 : memref<1x16x1024xf32, #tpu.memory_space<vmem>> -> memref<16x1024xf32, #tpu.memory_space<vmem>>
      %dma_wait3A_239 = tpu.memref_slice %arg5[%multiple_of3A_233] : memref<512xi32, #tpu.memory_space<vmem>> -> memref<16xi32, #tpu.memory_space<vmem>>
      %dma_wait3A_240 = arith.constant 0 : i32
      %dma_wait3A_241 = arith.constant 0 : i32
      %dma_wait3A_242 = tpu.memref_slice %arg2[%dma_wait3A_240, %dma_wait3A_241] : memref<100000x1024xf32, #tpu.memory_space<hbm>> -> memref<100000x1024xf32, #tpu.memory_space<hbm>>
      tpu.wait_indirect_dma semaphore(%arg10 : memref<!tpu.dma_semaphore, #tpu.memory_space<semaphore_mem>>) src(%dma_wait3A_242 : memref<100000x1024xf32, #tpu.memory_space<hbm>>) dst(%dma_wait3A_238 : memref<16x1024xf32, #tpu.memory_space<vmem>>)
      %mul3A_243 = arith.constant 16 : i32
      %mul3A_244 = arith.muli %add3A_230, %mul3A_243 : i32
      %add3A_245 = arith.addi %mul3A_2, %mul3A_244 : i32
      %dma_start3A_246 = arith.constant 3 : i32
      %dma_start3A_247 = arith.constant 0 : i32
      %dma_start3A_248 = arith.constant 0 : i32
      %dma_start3A_249 = tpu.memref_slice %arg6[%dma_start3A_246, %dma_start3A_247, %dma_start3A_248] : memref<4x16x1024xf32, #tpu.memory_space<vmem>> -> memref<1x16x1024xf32, #tpu.memory_space<vmem>>
      %dma_start3A_250 = tpu.memref_squeeze %dma_start3A_249 : memref<1x16x1024xf32, #tpu.memory_space<vmem>> -> memref<16x1024xf32, #tpu.memory_space<vmem>>
      %dma_start3A_251 = arith.constant 0 : i32
      %dma_start3A_252 = tpu.memref_slice %arg4[%add3A_245, %dma_start3A_251] : memref<16384x1024xf32, #tpu.memory_space<hbm>> -> memref<16x1024xf32, #tpu.memory_space<hbm>>
      %dma_start3A_253 = arith.constant 0 : i32
      %dma_start3A_254 = tpu.memref_slice %arg4[%add3A_245, %dma_start3A_253] : memref<16384x1024xf32, #tpu.memory_space<hbm>> -> memref<16x1024xf32, #tpu.memory_space<hbm>>
      %dma_start3A_255 = arith.constant 0 : i32
      %dma_start3A_256 = arith.constant 0 : i32
      %dma_start3A_257 = tpu.memref_slice %arg6[%dma_start3A_246, %dma_start3A_255, %dma_start3A_256] : memref<4x16x1024xf32, #tpu.memory_space<vmem>> -> memref<1x16x1024xf32, #tpu.memory_space<vmem>>
      %dma_start3A_258 = tpu.memref_squeeze %dma_start3A_257 : memref<1x16x1024xf32, #tpu.memory_space<vmem>> -> memref<16x1024xf32, #tpu.memory_space<vmem>>
      tpu.enqueue_dma source(%dma_start3A_258 : memref<16x1024xf32, #tpu.memory_space<vmem>>) target(%dma_start3A_254 : memref<16x1024xf32, #tpu.memory_space<hbm>>) target_semaphore(%arg14 : memref<!tpu.dma_semaphore, #tpu.memory_space<semaphore_mem>>)
      %dma_wait3A_259 = arith.constant 3 : i32
      %dma_wait3A_260 = arith.constant 0 : i32
      %dma_wait3A_261 = arith.constant 0 : i32
      %dma_wait3A_262 = tpu.memref_slice %arg6[%dma_wait3A_259, %dma_wait3A_260, %dma_wait3A_261] : memref<4x16x1024xf32, #tpu.memory_space<vmem>> -> memref<1x16x1024xf32, #tpu.memory_space<vmem>>
      %dma_wait3A_263 = tpu.memref_squeeze %dma_wait3A_262 : memref<1x16x1024xf32, #tpu.memory_space<vmem>> -> memref<16x1024xf32, #tpu.memory_space<vmem>>
      %dma_wait3A_264 = arith.constant 0 : i32
      %dma_wait3A_265 = tpu.memref_slice %arg4[%add3A_245, %dma_wait3A_264] : memref<16384x1024xf32, #tpu.memory_space<hbm>> -> memref<16x1024xf32, #tpu.memory_space<hbm>>
      %dma_wait3A_266 = arith.constant 0 : i32
      %dma_wait3A_267 = tpu.memref_slice %arg4[%add3A_245, %dma_wait3A_266] : memref<16384x1024xf32, #tpu.memory_space<hbm>> -> memref<16x1024xf32, #tpu.memory_space<hbm>>
      %dma_wait3A_268 = arith.constant 0 : i32
      %dma_wait3A_269 = arith.constant 0 : i32
      %dma_wait3A_270 = tpu.memref_slice %arg6[%dma_wait3A_259, %dma_wait3A_268, %dma_wait3A_269] : memref<4x16x1024xf32, #tpu.memory_space<vmem>> -> memref<1x16x1024xf32, #tpu.memory_space<vmem>>
      %dma_wait3A_271 = tpu.memref_squeeze %dma_wait3A_270 : memref<1x16x1024xf32, #tpu.memory_space<vmem>> -> memref<16x1024xf32, #tpu.memory_space<vmem>>
      tpu.wait_dma2 semaphore(%arg14 : memref<!tpu.dma_semaphore, #tpu.memory_space<semaphore_mem>>) src(%dma_wait3A_271 : memref<16x1024xf32, #tpu.memory_space<vmem>>) dst(%dma_wait3A_267 : memref<16x1024xf32, #tpu.memory_space<hbm>>)
      %lt3A_272 = arith.constant 28 : i32
      %lt3A_273 = arith.cmpi slt, %add3A_230, %lt3A_272 : i32
      %convert_element_type3A_274 = arith.extui %lt3A_273 : i1 to i32
      %cond3A_275 = arith.constant 0 : i32
      %cond3A_276 = arith.cmpi ne, %convert_element_type3A_274, %cond3A_275 : i32
      scf.if %cond3A_276 {
        %add3A_277 = arith.constant 4 : i32
        %add3A_278 = arith.addi %add3A_230, %add3A_277 : i32
        %mul3A_279 = arith.constant 16 : i32
        %mul3A_280 = arith.muli %add3A_278, %mul3A_279 : i32
        %multiple_of3A_281 = tpu.assume_multiple %mul3A_280, 16 : i32
        %dma_start3A_282 = arith.constant 3 : i32
        %dma_start3A_283 = arith.constant 0 : i32
        %dma_start3A_284 = arith.constant 0 : i32
        %dma_start3A_285 = tpu.memref_slice %arg6[%dma_start3A_282, %dma_start3A_283, %dma_start3A_284] : memref<4x16x1024xf32, #tpu.memory_space<vmem>> -> memref<1x16x1024xf32, #tpu.memory_space<vmem>>
        %dma_start3A_286 = tpu.memref_squeeze %dma_start3A_285 : memref<1x16x1024xf32, #tpu.memory_space<vmem>> -> memref<16x1024xf32, #tpu.memory_space<vmem>>
        %dma_start3A_287 = tpu.memref_slice %arg5[%multiple_of3A_281] : memref<512xi32, #tpu.memory_space<vmem>> -> memref<16xi32, #tpu.memory_space<vmem>>
        %dma_start3A_288 = arith.constant 0 : i32
        %dma_start3A_289 = arith.constant 0 : i32
        %dma_start3A_290 = tpu.memref_slice %arg2[%dma_start3A_288, %dma_start3A_289] : memref<100000x1024xf32, #tpu.memory_space<hbm>> -> memref<100000x1024xf32, #tpu.memory_space<hbm>>
        tpu.enqueue_indirect_dma source(%dma_start3A_290 : memref<100000x1024xf32, #tpu.memory_space<hbm>>) target(%dma_start3A_286 : memref<16x1024xf32, #tpu.memory_space<vmem>>) offsets(%dma_start3A_287 : memref<16xi32, #tpu.memory_space<vmem>>) semaphore(%arg10 : memref<!tpu.dma_semaphore, #tpu.memory_space<semaphore_mem>>)
      } else {
      }
    }
    %scan3A_80 = arith.constant 8 : i32
    return
  }
}

</mosaic_0001>

<sc_bundles>
// kernel: kernel.3.cloned.1.call-start
scs
__scs_entry_jumppad:
0x0: {  	(pc) =	sbr.rel $0x88, $3  }
0x1: {  	(tag) =	ssettag $0x0;
	lr =	simm.s32 $0x1  }
0x2: {  	[smem:$0x3F9F] =	sst lr;
	_ =	strace $0xD0000000  }
0x3: {  	_ = 	snop  }
0x4: {  	_ = 	snop  }
0x5: {  	_ = 	snop  }
0x6: {  	_ = 	snop  }
0x7: {  	_ = 	snop  }
__scs_overlays_trampoline_lowered:
0x8: {  	[smem:$0x3FAE] =	sst s0  }
0x9: {  	[smem:$0x3FAF] =	sst s1  }
0xa: {  	[smem:$0x3FB0] =	sst s2  }
0xb: {  	[smem:$0x3FB1] =	sst s3  }
0xc: {  	[smem:$0x3FB2] =	sst s4  }
0xd: {  	[smem:$0x3FB3] =	sst s5  }
0xe: {  	[smem:$0x3FB4] =	sst s6  }
0xf: {  	[smem:$0x3FB5] =	sst s7  }
0x10: {  	[smem:$0x3FB6] =	sst s8  }
0x11: {  	[smem:$0x3FB7] =	sst s9;
	s0 =	simm.s32 @!p0 $0x0  }
0x12: {  	s1 =	sld [smem:$0x3F9D];
	s0 =	simm.s32 @p0 $0x1  }
0x13: {  	[smem:$0x3FB8] =	sst s0;
	s0 =	simm.s32 @!p1 $0x0  }
0x14: {  	s2 =	sld [smem:$0x3F9C];
	s0 =	simm.s32 @p1 $0x1  }
0x15: {  	[smem:$0x3FB9] =	sst s0;
	s0 =	simm.s32 @!p2 $0x0  }
0x16: {  	s3 =	sld [smem:$0x3FDB];
	s0 =	simm.s32 @p2 $0x1  }
0x17: {  	s4 =	simm.s32 $0x1BF5;
	[smem:$0x3FBB] =	sst s0  }
0x18: {  	s0 =	sld [smem:$0x3F9E];
	_ =	swait.ge [sflag:s4], $0x0  }
0x19: {  	s7 =	sld [smem:$0x3F9F]  }
0x1a: {  	s8 =	sadd.s32 $0xFFFFE003, lr  }
0x1b: {  	s9 =	sadd.s32 $0xFFFFFEF7, lr;
	s5 =	simm.s32 $0xFFFFFFFF;
	p2 =	slt.u32 s8, $0xFFFFF086  }
0x1c: {  	p1 =	slt.u32 s9, $0xF7A;
	s5 =	simm.s32 @!p2 $0x0  }
0x1d: {  	s5 =	simm.s32 @p1 $0x1;
	p0 =	seq.s32 s7, s2  }
0x1e: {  	s7 =	smul.u32 @!p0 $0xF7A, s2;
	p2 =	seq.s32 @!p0 s5, $0x0  }
0x1f: {  	s9 =	smul.u32 $0xF7A, s1;
	s8 =	simm.s32 @!p0 $0x1BF5;
	p2 =	por !p2, p0  }
0x20: {  	[sflag:s8] =	ssyncset.s32 @!p0 $0xFFFFF086;
	s6 =	sadd.s32 @!p0 s3, s7;
	s7 =	simm.s32 @!p0 $0x108  }
0x21: {  	s3 =	sadd.s32 s3, s9;
	s6 =	sadd.s32 @!p0 $0x88, s6;
	s7 =	simm.s32 @p2 $0x1082  }
0x22: {  	[simem:s7], [sflag:s8] =	dma.local @!p0 [hbm:s6], $0xF7A  }
0x23: {  	s9 =	sor.u32 $0xD0000000, s2;
	s6 =	simm.s32 $0x108;
	_ =	swait.ge @!p0 [sflag:s8], $0x0  }
0x24: {  	s3 =	sadd.s32 $0x88, s3;
	s6 =	simm.s32 @!p1 $0x1082;
	[sflag:s4] =	ssyncset.s32 $0xFFFFF086  }
0x25: {  	[simem:s6], [sflag:s4] =	dma.local [hbm:s3], $0xF7A  }
0x26: {  	[smem:$0x3F9F] =	sst s1;
	(tag) =	ssettag s2;
	_ =	strace s9  }
0x27: {  	s1 =	sld [smem:$0x3FAF]  }
0x28: {  	s2 =	sld [smem:$0x3FB0]  }
0x29: {  	s4 =	sld [smem:$0x3FB2]  }
0x2a: {  	p0 =	seq.s32 s5, $0x0;
	s5 =	sld [smem:$0x3FB3]  }
0x2b: {  	s6 =	sld [smem:$0x3FB4]  }
0x2c: {  	s7 =	sld [smem:$0x3FB5]  }
0x2d: {  	s3 =	simm.s32 $0x108;
	s8 =	sld [smem:$0x3FB6]  }
0x2e: {  	s3 =	simm.s32 @!p0 $0x1082;
	s9 =	sld [smem:$0x3FB7]  }
0x2f: {  	lr =	sadd.s32 s0, s3;
	s0 =	sld [smem:$0x3FAE]  }
0x30: {  	s3 =	sld [smem:$0x3FB1]  }
0x31: {  	[smem:$0x3FBA] =	sst s10  }
0x32: {  	s10 =	sld [smem:$0x3FB8];
	_ =	sdelay $0x3  }
0x33: {  	p0 =	seq.s32 s10, $0x1;
	s10 =	sld [smem:$0x3FBA];
	_ =	sdelay $0x3  }
0x34: {  	[smem:$0x3FBA] =	sst s10  }
0x35: {  	s10 =	sld [smem:$0x3FB9];
	_ =	sdelay $0x3  }
0x36: {  	p1 =	seq.s32 s10, $0x1;
	s10 =	sld [smem:$0x3FBA];
	_ =	sdelay $0x3  }
0x37: {  	[smem:$0x3FBA] =	sst s10  }
0x38: {  	s10 =	sld [smem:$0x3FBB]  }
0x39: {  	_ = 	snop;
	(pc) =	sbr.ind lr, $3  }
0x3a: {  	_ = 	snop  }
0x3b: {  	_ = 	snop  }
0x3c: {  	p2 =	seq.s32 s10, $0x1;
	s10 =	sld [smem:$0x3FBA]  }
0x3d: {  	_ =	shalt  }
0x3e: {  	_ =	shalt  }
0x3f: {  	_ =	shalt  }
0x40: {  	_ =	shalt  }
0x41: {  	_ =	shalt  }
0x42: {  	_ =	shalt  }
0x43: {  	_ =	shalt  }
0x44: {  	_ =	shalt  }
0x45: {  	_ =	shalt  }
0x46: {  	_ =	shalt  }
0x47: {  	_ =	shalt  }
0x48: {  	_ =	shalt  }
0x49: {  	_ =	shalt  }
0x4a: {  	_ =	shalt  }
0x4b: {  	_ =	shalt  }
0x4c: {  	_ =	shalt  }
0x4d: {  	_ =	shalt  }
0x4e: {  	_ =	shalt  }
0x4f: {  	_ =	shalt  }
0x50: {  	_ =	shalt  }
0x51: {  	_ =	shalt  }
0x52: {  	_ =	shalt  }
0x53: {  	_ =	shalt  }
0x54: {  	_ =	shalt  }
0x55: {  	_ =	shalt  }
0x56: {  	_ =	shalt  }
0x57: {  	_ =	shalt  }
0x58: {  	_ =	shalt  }
0x59: {  	_ =	shalt  }
0x5a: {  	_ =	shalt  }
0x5b: {  	_ =	shalt  }
0x5c: {  	_ =	shalt  }
0x5d: {  	_ =	shalt  }
0x5e: {  	_ =	shalt  }
0x5f: {  	_ =	shalt  }
0x60: {  	_ =	shalt  }
0x61: {  	_ =	shalt  }
0x62: {  	_ =	shalt  }
0x63: {  	_ =	shalt  }
0x64: {  	_ =	shalt  }
0x65: {  	_ =	shalt  }
0x66: {  	_ =	shalt  }
0x67: {  	_ =	shalt  }
0x68: {  	_ =	shalt  }
0x69: {  	_ =	shalt  }
0x6a: {  	_ =	shalt  }
0x6b: {  	_ =	shalt  }
0x6c: {  	_ =	shalt  }
0x6d: {  	_ =	shalt  }
0x6e: {  	_ =	shalt  }
0x6f: {  	_ =	shalt  }
0x70: {  	_ =	shalt  }
0x71: {  	_ =	shalt  }
0x72: {  	_ =	shalt  }
0x73: {  	_ =	shalt  }
0x74: {  	_ =	shalt  }
0x75: {  	_ =	shalt  }
0x76: {  	_ =	shalt  }
0x77: {  	_ =	shalt  }
0x78: {  	_ =	shalt  }
0x79: {  	_ =	shalt  }
0x7a: {  	_ =	shalt  }
0x7b: {  	_ =	shalt  }
0x7c: {  	_ =	shalt  }
0x7d: {  	_ =	shalt  }
0x7e: {  	_ =	shalt  }
0x7f: {  	_ =	shalt  }
0x80: {  	_ =	shalt  }
0x81: {  	_ =	shalt  }
0x82: {  	_ =	shalt  }
0x83: {  	_ =	shalt  }
0x84: {  	_ =	shalt  }
0x85: {  	_ =	shalt  }
0x86: {  	_ =	shalt  }
0x87: {  	_ =	shalt  }
.Lfunc_end0:
.L_simem_size_0:
called_computation_lowered:
.L_overlay_start_0:
0x88: {  	s2 =	sld [smem:$0x3FD9]  }
0x89: {  	s3 =	sld [smem:$0x3FFE];
	_ =	sdelay $0x1  }
0x8a: {  	s1 =	srdreg.scid  }
0x8b: {  	s0 =	sand.u32 $0x1, s1  }
0x8c: {  	s18 =	sshll.u32 s0, $0xA;
	s2 =	sadd.s32 s3, s2  }
0x8d: {  	s2 =	sadd.s32 s2, s18  }
0x8e: {  	[smem:$0x3FC6] =	sst s2  }
0x8f: {  	_ = 	snop  }
0x90: {  	s2 =	sld [smem:$0x3FC9]  }
0x91: {  	s19 =	sld [smem:$0x3FC8]  }
0x92: {  	s4 =	sld [smem:$0x3FD0];
	(tm) =	ssettm $0x1  }
0x93: {  	s5 =	sld [smem:$0x3FFB];
	_ =	sdelay $0x3  }
0x94: {  	_ =	strace s5  }
0x95: {  	s5 =	sld [smem:$0x3FFC];
	_ =	sdelay $0x3  }
0x96: {  	_ =	strace s5  }
0x97: {  	s5 =	sld [smem:$0x3FFD];
	_ =	sdelay $0x3  }
0x98: {  	_ =	strace s5  }
0x99: {  	_ =	strace $0x8FFFFFFF  }
0x9a: {  	s20 =	sld [smem:$0x3FDB];
	_ =	sdelay $0x1  }
0x9b: {  	s6 =	simm.s32 $_scs_section_size  }
0x9c: {  	s7 =	simm.s32 $_size__tile_overlayer_lowered;
	s8 =	simm.s32 $_tile_overlayer_lowered  }
0x9d: {  	s23 =	simm.s32 $0x1BFF;
	s22 =	sshll.u32 s8, $0x1;
	s5 =	sadd.s32 s6, s20  }
0x9e: {  	s9 =	simm.s32 $0x0;
	s21 =	sshll.u32 s7, $0x1;
	s7 =	sadd.s32 s22, s5  }
0x9f: {  	[timem:s9], [sflag:s23] =	dma.local [hbm:s7], s21  }
0xa0: {  	_ =	swait.ge [sflag:s23], s21  }
0xa1: {  	s6 =	ssub.s32 $0x0, s21;
	[sflag:s23] =	ssyncset.done $0x0  }
0xa2: {  	[sflag:s23] =	ssyncadd.s32 s6;
	_ =	sdelay $0x1  }
0xa3: {  	s24 =	simm.s32 $0x1B8B  }
0xa4: {  	_ =	swait.ge [sflag:s24], $0x1  }
0xa5: {  	[sflag:s24] =	ssyncset.done $0x0  }
0xa6: {  	s25 =	simm.s32 $0x1B8E;
	[sflag:s24] =	ssyncadd.s32 $0xFFFFFFFF  }
0xa7: {  	s26 =	simm.s32 $execute0_lowered;
	[smem:$0x3FD2] =	sst s25  }
0xa8: {  	s6 =	sshll.u32 s26, $0x1;
	_ =	strace $0x80000046;
	[dreg:$0x1] =	wrdreg $0xFFFFFFFF  }
0xa9: {  	s28 =	simm.s32 $_size_execute0_lowered;
	s5 =	sadd.s32 s5, s6;
	[dreg:$0x0] =	wrdreg $0x0  }
0xaa: {  	s6 =	sshll.u32 s28, $0x1;
	[dreg:$0x2] =	wrdreg s5  }
0xab: {  	[dreg:$0x3] =	wrdreg s6  }
0xac: {  	[dreg:$0x4] =	wrdreg $0xC0  }
0xad: {  	_ =	task [dreg:s9], $0x5FFFF  }
0xae: {  	[dreg:$0x1] =	wrdreg $0xFFFFFFFF  }
0xaf: {  	[dreg:$0x0] =	wrdreg $0x60  }
0xb0: {  	[dreg:$0x2] =	wrdreg s19  }
0xb1: {  	[dreg:$0x3] =	wrdreg s2  }
0xb2: {  	[dreg:$0x4] =	wrdreg s4  }
0xb3: {  	[dreg:$0x5] =	wrdreg $0x9  }
0xb4: {  	_ =	task.clear_ibuf [dreg:s9], $0x6FFFF;
	_ =	strace $0x90000046  }
0xb5: {  	s29 =	simm.s32 $0x9;
	_ =	strace $0x80000048  }
0xb6: {  	_ =	swait.ge [sflag:s29], $0x1  }
0xb7: {  	[sflag:s29] =	ssyncadd.s32 $0xFFFFFFFF  }
0xb8: {  	_ =	strace $0x90000048  }
0xb9: {  	_ =	sfence  }
0xba: {  	s30 =	sld [smem:$0x0];
	_ =	sdelay $0x2  }
0xbb: {  	s31 =	sshll.u32 s1, $0xD;
	s1 =	sshrl.u32 s1, $0x2  }
0xbc: {  	s3 =	sand.u32 $0x4000, s31;
	s1 =	sadd.s32 s1, s30  }
0xbd: {  	s0 =	sor.u32 s3, s0;
	s1 =	sshll.u32 s1, $0x11  }
0xbe: {  	s0 =	sor.u32 s1, s0  }
0xbf: {  	s0 =	sadd.s32 $0x8F2B, s0  }
0xc0: {  	[sflag:s0] =	ssyncadd.remote.s32 $0x1  }
0xc1: {  	_ =	sfence.sel $0xFFFF  }
0xc2: {  	[dreg:$0x0] =	wrdreg $0xFFFFFFFF;
	(pc) =	sbr.abs _section_cstart, $3  }
0xc3: {  	[dreg:$0x1] =	wrdreg $0xFFFFFFFF  }
0xc4: {  	_ =	task.clear_ibuf [dreg:s9], $0x2FFFF;
	_ =	strace $0x9FFFFFFF  }
0xc5: {  	(tm) =	ssettm $0x7FFFFFFF  }
tec
execute0_lowered:
.L_overlay_start_1:
0x0: {  	(tag) =	ssettag $0x1  }
0x1: {  	s1 =	rddreg [dreg:$0x0]  }
0x2: {  	s0 =	rddreg [dreg:$0x1]  }
0x3: {  	s2 =	rddreg [dreg:$0x2]  }
0x4: {  	s3 =	simm.s32 $0x0;
	s4 =	srdreg.scid;
	s9 =	stileid.u32  }
0x5: {  	s11 =	simm.s32 $0x200;
	s20 =	simm.s32 $0x4200;
	s29 =	simm.s32 $0x8200  }
0x6: {  	s15 =	simm.s32 $0xC200;
	s16 =	simm.s32 $0xCA00;
	s17 =	simm.s32 $0xD200  }
0x7: {  	s18 =	simm.s32 $0xDA00;
	s19 =	simm.s32 $0xE200;
	s21 =	simm.s32 $0xEA00  }
0x8: {  	s28 =	simm.s32 $0x6;
	s30 =	simm.s32 $0x3;
	s31 =	simm.s32 $0x7  }
0x9: {  	s10 =	simm.s32 $0x0;
	[smem:$0x7FF] =	sst s3;
	s4 =	sand.u32 $0x1, s4  }
0xa: {  	s5 =	sshll.u32 s9, $0x9;
	s7 =	sshll.u32 s9, $0x2;
	s24 =	sshll.u32 s9, $0x11  }
0xb: {  	s6 =	sshll.u32 s4, $0x8;
	s8 =	ssub.s32 $0x2, s4;
	s22 =	sand.u32 $0x30, s7  }
0xc: {  	_ =	strace $0x80000047;
	s7 =	sadd.s32 $0x300, s1;
	s25 =	sshll.u32 s4, $0x10  }
0xd: {  	s5 =	sor.u32 s6, s5;
	s23 =	sshrl.u32 s8, $0x1;
	s0 =	sadd.s32 s0, s22  }
0xe: {  	s6 =	sadd.s32 $0x200, s1;
	s22 =	simm.s32 $0xF200;
	s5 =	sand.u32 $0x700, s5  }
.Ltmp0:
0xf: {  	s8 =	ssub.s32 s8, s23;
	s0 =	sadd.s32 s5, s0;
	(pc) =	sbr.rel .LBB2_1-.Ltmp0, $4  }
0x10: {  	s23 =	simm.s32 $0xFA00;
	s26 =	smax.u32 s8, $0x1;
	[dreg:$0x4] =	wrdreg s0  }
0x11: {  	v2 =	vlaneseq.u32;
	s5 =	sadd.s32 $0x100, s1;
	s0 =	sadd.s32 s24, s2;
	[dreg:$0x5] =	wrdreg s26  }
0x12: {  	vm0 =	vmmov $0xffff;
	v1 =	vshrl.u32 v2, $0x3;
	s24 =	simm.s32 $0x1;
	s26 =	simm.s32 $0x2;
	s2 =	simm.s32 $0x8  }
0x13: {  	v0 =	vand.u32 $0x7, v2;
	v2 =	vor.u32 $0x8, v2;
	v1 =	vmul.u32 $0x8, v1;
	s9 =	sadd.s32 s25, s0;
	s25 =	simm.s32 $0x5;
	s0 =	simm.s32 $0x4  }
.LBB2_4:
0x14: {  	s10 =	sadd.s32 $0x1, s10;
	s4 =	rddreg [dreg:$0x5]  }
0x15: {  	p0 =	sne.s32 s10, s4  }
.Ltmp1:
0x16: {  	_ = 	snop;
	(pc) =	sbr.rel @!p0 .LBB2_5-.Ltmp1, $1  }
0x17: {  	_ =	sdelay $0x3  }
.LBB2_1:
0x18: {  	s4 =	rddreg [dreg:$0x4];
	s8 =	simm.s32 $0x80;
	s13 =	simm.s32 $0x9  }
0x19: {  	[tilespmem:s3], [sflag:$0x9] =	stream.strided.gather [hbm4b:s4+s8], $0x200, s11, s8, $0x38;
	[tilespmem:$0x10200] =	vst v63  }
0x1a: {  	_ =	swait.ge [sflag:s13], $0x200  }
0x1b: {  	[sflag:s13] =	ssyncset.done $0x0  }
0x1c: {  	[sflag:s13] =	ssyncadd.s32 $0xFFFFFE00  }
0x1d: {  	v3 =	vld [tilespmem:$0x0];
	_ =	sdelay $0x4  }
0x1e: {  	v4 =	vshll.u32 v3, $0x3  }
0x1f: {  	v3 =	vand.u32 $0x7, v3;
	v4 =	vand.u32 $0xFFFFFFC0, v4  }
0x20: {  	v3 =	vor.u32 v3, v4  }
0x21: {  	v4 =	vperm.xlane v3, v0;
	_ =	sdelay $0x1  }
0x22: {  	v4 =	vadd.s32 v1, v4;
	_ =	sdelay $0x4  }
0x23: {  	[tilespmem:s11], [sflag:$0x1] =	stream.indirect_vreg.gather [hbm4b:s1+s3], $0x80, v4, vm0, $0xb8;
	[tilespmem:$0x10200] =	vst v63  }
0x24: {  	s14 =	simm.s32 $0xA00;
	v3 =	vperm.xlane v3, v2  }
0x25: {  	[tilespmem:s14], [sflag:$0x1] =	stream.indirect_vreg.gather [hbm4b:s5+s3], $0x80, v4, vm0, $0xb8;
	[tilespmem:$0x10200] =	vst v63  }
0x26: {  	s8 =	simm.s32 $0x1200;
	v3 =	vadd.s32 v1, v3  }
0x27: {  	[tilespmem:s8], [sflag:$0x1] =	stream.indirect_vreg.gather [hbm4b:s6+s3], $0x80, v4, vm0, $0xb8;
	[tilespmem:$0x10200] =	vst v63  }
0x28: {  	s12 =	simm.s32 $0x1A00  }
0x29: {  	[tilespmem:s12], [sflag:$0x1] =	stream.indirect_vreg.gather [hbm4b:s7+s3], $0x80, v4, vm0, $0xb8;
	[tilespmem:$0x10200] =	vst v63  }
0x2a: {  	s13 =	simm.s32 $0x2200  }
0x2b: {  	[tilespmem:s13], [sflag:$0x1] =	stream.indirect_vreg.gather [hbm4b:s1+s3], $0x80, v3, vm0, $0xb8;
	[tilespmem:$0x10200] =	vst v63  }
0x2c: {  	s14 =	simm.s32 $0x2A00  }
0x2d: {  	[tilespmem:s14], [sflag:$0x1] =	stream.indirect_vreg.gather [hbm4b:s5+s3], $0x80, v3, vm0, $0xb8;
	[tilespmem:$0x10200] =	vst v63  }
0x2e: {  	s8 =	simm.s32 $0x3200  }
0x2f: {  	[tilespmem:s8], [sflag:$0x1] =	stream.indirect_vreg.gather [hbm4b:s6+s3], $0x80, v3, vm0, $0xb8;
	[tilespmem:$0x10200] =	vst v63  }
0x30: {  	s12 =	simm.s32 $0x3A00  }
0x31: {  	[tilespmem:s12], [sflag:$0x1] =	stream.indirect_vreg.gather [hbm4b:s7+s3], $0x80, v3, vm0, $0xb8;
	[tilespmem:$0x10200] =	vst v63  }
0x32: {  	v3 =	vld [tilespmem:$0x10];
	_ =	sdelay $0x4  }
0x33: {  	v61 =	vshll.u32 v3, $0x3  }
0x34: {  	v3 =	vand.u32 $0x7, v3;
	v4 =	vand.u32 $0xFFFFFFC0, v61  }
0x35: {  	v3 =	vor.u32 v3, v4  }
0x36: {  	v4 =	vperm.xlane v3, v0;
	_ =	sdelay $0x1  }
0x37: {  	v4 =	vadd.s32 v1, v4;
	_ =	sdelay $0x4  }
0x38: {  	[tilespmem:s20], [sflag:$0x2] =	stream.indirect_vreg.gather [hbm4b:s1+s3], $0x80, v4, vm0, $0xb8;
	[tilespmem:$0x10200] =	vst v63  }
0x39: {  	s13 =	simm.s32 $0x4A00;
	v3 =	vperm.xlane v3, v2  }
0x3a: {  	[tilespmem:s13], [sflag:$0x2] =	stream.indirect_vreg.gather [hbm4b:s5+s3], $0x80, v4, vm0, $0xb8;
	[tilespmem:$0x10200] =	vst v63  }
0x3b: {  	s14 =	simm.s32 $0x5200;
	v3 =	vadd.s32 v1, v3  }
0x3c: {  	[tilespmem:s14], [sflag:$0x2] =	stream.indirect_vreg.gather [hbm4b:s6+s3], $0x80, v4, vm0, $0xb8;
	[tilespmem:$0x10200] =	vst v63  }
0x3d: {  	s8 =	simm.s32 $0x5A00  }
0x3e: {  	[tilespmem:s8], [sflag:$0x2] =	stream.indirect_vreg.gather [hbm4b:s7+s3], $0x80, v4, vm0, $0xb8;
	[tilespmem:$0x10200] =	vst v63  }
0x3f: {  	s12 =	simm.s32 $0x6200  }
0x40: {  	[tilespmem:s12], [sflag:$0x2] =	stream.indirect_vreg.gather [hbm4b:s1+s3], $0x80, v3, vm0, $0xb8;
	[tilespmem:$0x10200] =	vst v63  }
0x41: {  	s13 =	simm.s32 $0x6A00  }
0x42: {  	[tilespmem:s13], [sflag:$0x2] =	stream.indirect_vreg.gather [hbm4b:s5+s3], $0x80, v3, vm0, $0xb8;
	[tilespmem:$0x10200] =	vst v63  }
0x43: {  	s14 =	simm.s32 $0x7200  }
0x44: {  	[tilespmem:s14], [sflag:$0x2] =	stream.indirect_vreg.gather [hbm4b:s6+s3], $0x80, v3, vm0, $0xb8;
	[tilespmem:$0x10200] =	vst v63  }
0x45: {  	s8 =	simm.s32 $0x7A00  }
0x46: {  	[tilespmem:s8], [sflag:$0x2] =	stream.indirect_vreg.gather [hbm4b:s7+s3], $0x80, v3, vm0, $0xb8;
	[tilespmem:$0x10200] =	vst v63  }
0x47: {  	v3 =	vld [tilespmem:$0x20];
	_ =	sdelay $0x4  }
0x48: {  	v62 =	vshll.u32 v3, $0x3  }
0x49: {  	v3 =	vand.u32 $0x7, v3;
	v4 =	vand.u32 $0xFFFFFFC0, v62  }
0x4a: {  	v3 =	vor.u32 v3, v4  }
0x4b: {  	v4 =	vperm.xlane v3, v0;
	_ =	sdelay $0x1  }
0x4c: {  	v4 =	vadd.s32 v1, v4;
	_ =	sdelay $0x4  }
0x4d: {  	[tilespmem:s29], [sflag:$0x3] =	stream.indirect_vreg.gather [hbm4b:s1+s3], $0x80, v4, vm0, $0xb8;
	[tilespmem:$0x10200] =	vst v63  }
0x4e: {  	s12 =	simm.s32 $0x8A00;
	v3 =	vperm.xlane v3, v2  }
0x4f: {  	[tilespmem:s12], [sflag:$0x3] =	stream.indirect_vreg.gather [hbm4b:s5+s3], $0x80, v4, vm0, $0xb8;
	[tilespmem:$0x10200] =	vst v63  }
0x50: {  	s13 =	simm.s32 $0x9200;
	v3 =	vadd.s32 v1, v3  }
0x51: {  	[tilespmem:s13], [sflag:$0x3] =	stream.indirect_vreg.gather [hbm4b:s6+s3], $0x80, v4, vm0, $0xb8;
	[tilespmem:$0x10200] =	vst v63  }
0x52: {  	s14 =	simm.s32 $0x9A00  }
0x53: {  	[tilespmem:s14], [sflag:$0x3] =	stream.indirect_vreg.gather [hbm4b:s7+s3], $0x80, v4, vm0, $0xb8;
	[tilespmem:$0x10200] =	vst v63  }
0x54: {  	s8 =	simm.s32 $0xA200  }
0x55: {  	[tilespmem:s8], [sflag:$0x3] =	stream.indirect_vreg.gather [hbm4b:s1+s3], $0x80, v3, vm0, $0xb8;
	[tilespmem:$0x10200] =	vst v63  }
0x56: {  	s12 =	simm.s32 $0xAA00  }
0x57: {  	[tilespmem:s12], [sflag:$0x3] =	stream.indirect_vreg.gather [hbm4b:s5+s3], $0x80, v3, vm0, $0xb8;
	[tilespmem:$0x10200] =	vst v63  }
0x58: {  	s13 =	simm.s32 $0xB200  }
0x59: {  	[tilespmem:s13], [sflag:$0x3] =	stream.indirect_vreg.gather [hbm4b:s6+s3], $0x80, v3, vm0, $0xb8;
	[tilespmem:$0x10200] =	vst v63  }
0x5a: {  	s14 =	simm.s32 $0xBA00  }
0x5b: {  	[tilespmem:s14], [sflag:$0x3] =	stream.indirect_vreg.gather [hbm4b:s7+s3], $0x80, v3, vm0, $0xb8;
	[tilespmem:$0x10200] =	vst v63  }
0x5c: {  	v3 =	vld [tilespmem:$0x30];
	_ =	sdelay $0x4  }
0x5d: {  	v63 =	vshll.u32 v3, $0x3  }
0x5e: {  	v3 =	vand.u32 $0x7, v3;
	v4 =	vand.u32 $0xFFFFFFC0, v63  }
0x5f: {  	v3 =	vor.u32 v3, v4  }
0x60: {  	v4 =	vperm.xlane v3, v0;
	_ =	sdelay $0x1  }
0x61: {  	v4 =	vadd.s32 v1, v4;
	_ =	sdelay $0x4  }
0x62: {  	[tilespmem:s15], [sflag:$0x4] =	stream.indirect_vreg.gather [hbm4b:s1+s3], $0x80, v4, vm0, $0xb8;
	[tilespmem:$0x10200] =	vst v63  }
0x63: {  	v3 =	vperm.xlane v3, v2  }
0x64: {  	[tilespmem:s16], [sflag:$0x4] =	stream.indirect_vreg.gather [hbm4b:s5+s3], $0x80, v4, vm0, $0xb8;
	[tilespmem:$0x10200] =	vst v63  }
0x65: {  	v3 =	vadd.s32 v1, v3  }
0x66: {  	[tilespmem:s17], [sflag:$0x4] =	stream.indirect_vreg.gather [hbm4b:s6+s3], $0x80, v4, vm0, $0xb8;
	[tilespmem:$0x10200] =	vst v63  }
0x67: {  	_ = 	snop  }
0x68: {  	[tilespmem:s18], [sflag:$0x4] =	stream.indirect_vreg.gather [hbm4b:s7+s3], $0x80, v4, vm0, $0xb8;
	[tilespmem:$0x10200] =	vst v63  }
0x69: {  	_ = 	snop  }
0x6a: {  	[tilespmem:s19], [sflag:$0x4] =	stream.indirect_vreg.gather [hbm4b:s1+s3], $0x80, v3, vm0, $0xb8;
	[tilespmem:$0x10200] =	vst v63  }
0x6b: {  	_ = 	snop  }
0x6c: {  	[tilespmem:s21], [sflag:$0x4] =	stream.indirect_vreg.gather [hbm4b:s5+s3], $0x80, v3, vm0, $0xb8;
	[tilespmem:$0x10200] =	vst v63  }
0x6d: {  	_ = 	snop  }
0x6e: {  	[tilespmem:s22], [sflag:$0x4] =	stream.indirect_vreg.gather [hbm4b:s6+s3], $0x80, v3, vm0, $0xb8;
	[tilespmem:$0x10200] =	vst v63  }
0x6f: {  	s13 =	simm.s32 $0x70;
	s14 =	simm.s32 $0x0  }
0x70: {  	[tilespmem:s23], [sflag:$0x4] =	stream.indirect_vreg.gather [hbm4b:s7+s3], $0x80, v3, vm0, $0xb8;
	[tilespmem:$0x10200] =	vst v63  }
.LBB2_2:
0x71: {  	_ =	swait.ge [sflag:s24], $0x4000  }
0x72: {  	[sflag:s24] =	ssyncset.done $0x0  }
0x73: {  	s4 =	sadd.s32 s14, s9;
	[sflag:s24] =	ssyncadd.s32 $0xFFFFC000  }
0x74: {  	[hbm4b:s4+s3] =	stream.linear.scatter [tilespmem:s11], [sflag:$0x5], $0x4000, $0x38;
	[tilespmem:$0x10200] =	vst v63  }
0x75: {  	_ =	swait.ge [sflag:s25], $0x4000  }
0x76: {  	[sflag:s25] =	ssyncset.done $0x0  }
0x77: {  	p0 =	seq.s32 s14, $0xE000;
	[sflag:s25] =	ssyncadd.s32 $0xFFFFC000  }
0x78: {  	v3 =	vld @!p0 [tilespmem:s13+$0xFFFFFFD0];
	_ =	sdelay $0x4  }
0x79: {  	v4 =	vshll.u32 @!p0 v3, $0x3  }
0x7a: {  	v5 =	vlaneseq.u32 @!p0;
	v3 =	vand.u32 @!p0 $0x7, v3;
	v4 =	vand.u32 @!p0 $0xFFFFFFC0, v4  }
0x7b: {  	v6 =	vshrl.u32 @!p0 v5, $0x3;
	v3 =	vor.u32 @!p0 v3, v4;
	v4 =	vand.u32 @!p0 $0x7, v5  }
0x7c: {  	v6 =	vmul.u32 @!p0 $0x8, v6;
	v7 =	vperm.xlane @!p0 v3, v4;
	_ =	sdelay $0x1  }
0x7d: {  	v7 =	vadd.s32 @!p0 v6, v7;
	_ =	sdelay $0x3  }
0x7e: {  	vm1 =	vmmov @!p0 $0xffff;
	s8 =	simm.s32 @!p0 $0x0;
	s12 =	simm.s32 @!p0 $0x200  }
0x7f: {  	v5 =	vor.u32 @!p0 $0x8, v5;
	[tilespmem:s12], [sflag:$0x1] =	stream.indirect_vreg.gather @!p0 [hbm4b:s1+s8], $0x80, v7, vm1, $0xb8;
	[tilespmem:$0x10200] =	vst v63  }
0x80: {  	v3 =	vperm.xlane @!p0 v3, v5;
	s12 =	simm.s32 @!p0 $0xA00  }
0x81: {  	[tilespmem:s12], [sflag:$0x1] =	stream.indirect_vreg.gather @!p0 [hbm4b:s5+s8], $0x80, v7, vm1, $0xb8;
	[tilespmem:$0x10200] =	vst v63  }
0x82: {  	v3 =	vadd.s32 @!p0 v6, v3;
	s12 =	simm.s32 @!p0 $0x1200  }
0x83: {  	[tilespmem:s12], [sflag:$0x1] =	stream.indirect_vreg.gather @!p0 [hbm4b:s6+s8], $0x80, v7, vm1, $0xb8;
	[tilespmem:$0x10200] =	vst v63  }
0x84: {  	s12 =	simm.s32 @!p0 $0x1A00  }
0x85: {  	[tilespmem:s12], [sflag:$0x1] =	stream.indirect_vreg.gather @!p0 [hbm4b:s7+s8], $0x80, v7, vm1, $0xb8;
	[tilespmem:$0x10200] =	vst v63  }
0x86: {  	s12 =	simm.s32 @!p0 $0x2200  }
0x87: {  	[tilespmem:s12], [sflag:$0x1] =	stream.indirect_vreg.gather @!p0 [hbm4b:s1+s8], $0x80, v3, vm1, $0xb8;
	[tilespmem:$0x10200] =	vst v63  }
0x88: {  	s12 =	simm.s32 @!p0 $0x2A00  }
0x89: {  	[tilespmem:s12], [sflag:$0x1] =	stream.indirect_vreg.gather @!p0 [hbm4b:s5+s8], $0x80, v3, vm1, $0xb8;
	[tilespmem:$0x10200] =	vst v63  }
0x8a: {  	s12 =	simm.s32 @!p0 $0x3200  }
0x8b: {  	[tilespmem:s12], [sflag:$0x1] =	stream.indirect_vreg.gather @!p0 [hbm4b:s6+s8], $0x80, v3, vm1, $0xb8;
	[tilespmem:$0x10200] =	vst v63  }
0x8c: {  	s12 =	simm.s32 @!p0 $0x3A00  }
0x8d: {  	[tilespmem:s12], [sflag:$0x1] =	stream.indirect_vreg.gather @!p0 [hbm4b:s7+s8], $0x80, v3, vm1, $0xb8;
	[tilespmem:$0x10200] =	vst v63  }
0x8e: {  	_ =	swait.ge [sflag:s26], $0x4000  }
0x8f: {  	[sflag:s26] =	ssyncset.done $0x0  }
0x90: {  	s12 =	sadd.s32 $0x800, s4;
	[sflag:s26] =	ssyncadd.s32 $0xFFFFC000  }
0x91: {  	[hbm4b:s12+s3] =	stream.linear.scatter [tilespmem:s20], [sflag:$0x6], $0x4000, $0x38;
	[tilespmem:$0x10200] =	vst v63  }
0x92: {  	_ =	swait.ge [sflag:s28], $0x4000  }
0x93: {  	[sflag:s28] =	ssyncset.done $0x0  }
0x94: {  	[sflag:s28] =	ssyncadd.s32 $0xFFFFC000  }
0x95: {  	v3 =	vld @!p0 [tilespmem:s13+$0xFFFFFFE0];
	_ =	sdelay $0x4  }
0x96: {  	v7 =	vshll.u32 @!p0 v3, $0x3  }
0x97: {  	v3 =	vand.u32 @!p0 $0x7, v3;
	v7 =	vand.u32 @!p0 $0xFFFFFFC0, v7  }
0x98: {  	v3 =	vor.u32 @!p0 v3, v7  }
0x99: {  	v7 =	vperm.xlane @!p0 v3, v4;
	_ =	sdelay $0x1  }
0x9a: {  	v7 =	vadd.s32 @!p0 v6, v7;
	_ =	sdelay $0x3  }
0x9b: {  	s12 =	simm.s32 @!p0 $0x4200  }
0x9c: {  	[tilespmem:s12], [sflag:$0x2] =	stream.indirect_vreg.gather @!p0 [hbm4b:s1+s8], $0x80, v7, vm1, $0xb8;
	[tilespmem:$0x10200] =	vst v63  }
0x9d: {  	v3 =	vperm.xlane @!p0 v3, v5;
	s12 =	simm.s32 @!p0 $0x4A00  }
0x9e: {  	[tilespmem:s12], [sflag:$0x2] =	stream.indirect_vreg.gather @!p0 [hbm4b:s5+s8], $0x80, v7, vm1, $0xb8;
	[tilespmem:$0x10200] =	vst v63  }
0x9f: {  	v3 =	vadd.s32 @!p0 v6, v3;
	s12 =	simm.s32 @!p0 $0x5200  }
0xa0: {  	[tilespmem:s12], [sflag:$0x2] =	stream.indirect_vreg.gather @!p0 [hbm4b:s6+s8], $0x80, v7, vm1, $0xb8;
	[tilespmem:$0x10200] =	vst v63  }
0xa1: {  	s12 =	simm.s32 @!p0 $0x5A00  }
0xa2: {  	[tilespmem:s12], [sflag:$0x2] =	stream.indirect_vreg.gather @!p0 [hbm4b:s7+s8], $0x80, v7, vm1, $0xb8;
	[tilespmem:$0x10200] =	vst v63  }
0xa3: {  	s12 =	simm.s32 @!p0 $0x6200  }
0xa4: {  	[tilespmem:s12], [sflag:$0x2] =	stream.indirect_vreg.gather @!p0 [hbm4b:s1+s8], $0x80, v3, vm1, $0xb8;
	[tilespmem:$0x10200] =	vst v63  }
0xa5: {  	s12 =	simm.s32 @!p0 $0x6A00  }
0xa6: {  	[tilespmem:s12], [sflag:$0x2] =	stream.indirect_vreg.gather @!p0 [hbm4b:s5+s8], $0x80, v3, vm1, $0xb8;
	[tilespmem:$0x10200] =	vst v63  }
0xa7: {  	s12 =	simm.s32 @!p0 $0x7200  }
0xa8: {  	[tilespmem:s12], [sflag:$0x2] =	stream.indirect_vreg.gather @!p0 [hbm4b:s6+s8], $0x80, v3, vm1, $0xb8;
	[tilespmem:$0x10200] =	vst v63  }
0xa9: {  	s12 =	simm.s32 @!p0 $0x7A00  }
0xaa: {  	[tilespmem:s12], [sflag:$0x2] =	stream.indirect_vreg.gather @!p0 [hbm4b:s7+s8], $0x80, v3, vm1, $0xb8;
	[tilespmem:$0x10200] =	vst v63  }
0xab: {  	_ =	swait.ge [sflag:s30], $0x4000  }
0xac: {  	[sflag:s30] =	ssyncset.done $0x0  }
0xad: {  	s12 =	sadd.s32 $0x1000, s4;
	[sflag:s30] =	ssyncadd.s32 $0xFFFFC000  }
0xae: {  	[hbm4b:s12+s3] =	stream.linear.scatter [tilespmem:s29], [sflag:$0x7], $0x4000, $0x38;
	[tilespmem:$0x10200] =	vst v63  }
0xaf: {  	_ =	swait.ge [sflag:s31], $0x4000  }
0xb0: {  	[sflag:s31] =	ssyncset.done $0x0  }
0xb1: {  	[sflag:s31] =	ssyncadd.s32 $0xFFFFC000  }
0xb2: {  	v3 =	vld @!p0 [tilespmem:s13+$0xFFFFFFF0];
	_ =	sdelay $0x4  }
0xb3: {  	v7 =	vshll.u32 @!p0 v3, $0x3  }
0xb4: {  	v3 =	vand.u32 @!p0 $0x7, v3;
	v7 =	vand.u32 @!p0 $0xFFFFFFC0, v7  }
0xb5: {  	v3 =	vor.u32 @!p0 v3, v7  }
0xb6: {  	v4 =	vperm.xlane @!p0 v3, v4;
	_ =	sdelay $0x1  }
0xb7: {  	v4 =	vadd.s32 @!p0 v6, v4;
	_ =	sdelay $0x3  }
0xb8: {  	s12 =	simm.s32 @!p0 $0x8200  }
0xb9: {  	[tilespmem:s12], [sflag:$0x3] =	stream.indirect_vreg.gather @!p0 [hbm4b:s1+s8], $0x80, v4, vm1, $0xb8;
	[tilespmem:$0x10200] =	vst v63  }
0xba: {  	v3 =	vperm.xlane @!p0 v3, v5;
	s12 =	simm.s32 @!p0 $0x8A00  }
0xbb: {  	[tilespmem:s12], [sflag:$0x3] =	stream.indirect_vreg.gather @!p0 [hbm4b:s5+s8], $0x80, v4, vm1, $0xb8;
	[tilespmem:$0x10200] =	vst v63  }
0xbc: {  	v3 =	vadd.s32 @!p0 v6, v3;
	s12 =	simm.s32 @!p0 $0x9200  }
0xbd: {  	[tilespmem:s12], [sflag:$0x3] =	stream.indirect_vreg.gather @!p0 [hbm4b:s6+s8], $0x80, v4, vm1, $0xb8;
	[tilespmem:$0x10200] =	vst v63  }
0xbe: {  	s12 =	simm.s32 @!p0 $0x9A00  }
0xbf: {  	[tilespmem:s12], [sflag:$0x3] =	stream.indirect_vreg.gather @!p0 [hbm4b:s7+s8], $0x80, v4, vm1, $0xb8;
	[tilespmem:$0x10200] =	vst v63  }
0xc0: {  	s12 =	simm.s32 @!p0 $0xA200  }
0xc1: {  	[tilespmem:s12], [sflag:$0x3] =	stream.indirect_vreg.gather @!p0 [hbm4b:s1+s8], $0x80, v3, vm1, $0xb8;
	[tilespmem:$0x10200] =	vst v63  }
0xc2: {  	s12 =	simm.s32 @!p0 $0xAA00  }
0xc3: {  	[tilespmem:s12], [sflag:$0x3] =	stream.indirect_vreg.gather @!p0 [hbm4b:s5+s8], $0x80, v3, vm1, $0xb8;
	[tilespmem:$0x10200] =	vst v63  }
0xc4: {  	s12 =	simm.s32 @!p0 $0xB200  }
0xc5: {  	[tilespmem:s12], [sflag:$0x3] =	stream.indirect_vreg.gather @!p0 [hbm4b:s6+s8], $0x80, v3, vm1, $0xb8;
	[tilespmem:$0x10200] =	vst v63  }
0xc6: {  	s12 =	simm.s32 @!p0 $0xBA00  }
0xc7: {  	[tilespmem:s12], [sflag:$0x3] =	stream.indirect_vreg.gather @!p0 [hbm4b:s7+s8], $0x80, v3, vm1, $0xb8;
	[tilespmem:$0x10200] =	vst v63  }
0xc8: {  	_ =	swait.ge [sflag:s0], $0x4000  }
0xc9: {  	[sflag:s0] =	ssyncset.done $0x0  }
.Ltmp2:
0xca: {  	s4 =	sadd.s32 $0x1800, s4;
	[sflag:s0] =	ssyncadd.s32 $0xFFFFC000;
	(pc) =	sbr.rel @p0 .LBB2_4-.Ltmp2, $4  }
0xcb: {  	[hbm4b:s4+s3] =	stream.linear.scatter [tilespmem:s15], [sflag:$0x8], $0x4000, $0x38;
	[tilespmem:$0x10200] =	vst v63  }
0xcc: {  	_ =	swait.ge [sflag:s2], $0x4000  }
0xcd: {  	[sflag:s2] =	ssyncset.done $0x0  }
0xce: {  	[sflag:s2] =	ssyncadd.s32 $0xFFFFC000  }
0xcf: {  	v3 =	vld [tilespmem:s13+$0x0];
	_ =	sdelay $0x4  }
0xd0: {  	v4 =	vshll.u32 v3, $0x3  }
0xd1: {  	v3 =	vand.u32 $0x7, v3;
	v4 =	vand.u32 $0xFFFFFFC0, v4  }
0xd2: {  	v3 =	vor.u32 v3, v4  }
0xd3: {  	v4 =	vperm.xlane v3, v0;
	_ =	sdelay $0x1  }
0xd4: {  	v4 =	vadd.s32 v1, v4;
	_ =	sdelay $0x4  }
0xd5: {  	[tilespmem:s15], [sflag:$0x4] =	stream.indirect_vreg.gather [hbm4b:s1+s3], $0x80, v4, vm0, $0xb8;
	[tilespmem:$0x10200] =	vst v63  }
0xd6: {  	v3 =	vperm.xlane v3, v2  }
0xd7: {  	[tilespmem:s16], [sflag:$0x4] =	stream.indirect_vreg.gather [hbm4b:s5+s3], $0x80, v4, vm0, $0xb8;
	[tilespmem:$0x10200] =	vst v63  }
0xd8: {  	v3 =	vadd.s32 v1, v3  }
0xd9: {  	[tilespmem:s17], [sflag:$0x4] =	stream.indirect_vreg.gather [hbm4b:s6+s3], $0x80, v4, vm0, $0xb8;
	[tilespmem:$0x10200] =	vst v63  }
0xda: {  	_ = 	snop  }
0xdb: {  	[tilespmem:s18], [sflag:$0x4] =	stream.indirect_vreg.gather [hbm4b:s7+s3], $0x80, v4, vm0, $0xb8;
	[tilespmem:$0x10200] =	vst v63  }
0xdc: {  	_ = 	snop  }
0xdd: {  	[tilespmem:s19], [sflag:$0x4] =	stream.indirect_vreg.gather [hbm4b:s1+s3], $0x80, v3, vm0, $0xb8;
	[tilespmem:$0x10200] =	vst v63  }
0xde: {  	_ = 	snop  }
0xdf: {  	[tilespmem:s21], [sflag:$0x4] =	stream.indirect_vreg.gather [hbm4b:s5+s3], $0x80, v3, vm0, $0xb8;
	[tilespmem:$0x10200] =	vst v63  }
.Ltmp3:
0xe0: {  	_ = 	snop;
	(pc) =	sbr.rel .LBB2_2-.Ltmp3, $4  }
0xe1: {  	_ = 	snop  }
0xe2: {  	[tilespmem:s22], [sflag:$0x4] =	stream.indirect_vreg.gather [hbm4b:s6+s3], $0x80, v3, vm0, $0xb8;
	[tilespmem:$0x10200] =	vst v63  }
0xe3: {  	s14 =	sadd.s32 $0x2000, s14;
	s13 =	sadd.s32 $0x40, s13  }
0xe4: {  	[tilespmem:s23], [sflag:$0x4] =	stream.indirect_vreg.gather [hbm4b:s7+s3], $0x80, v3, vm0, $0xb8;
	[tilespmem:$0x10200] =	vst v63  }
.LBB2_5:
0xe5: {  	_ =	sfence.sel $0x180000  }
0xe6: {  	[bflag:$0x0] =	sbarrier.arrive $0xFFFF  }
0xe7: {  	_ =	strace $0x90000047  }
0xe8: {  	s0 =	stileid.u32;
	[bflag:$0x2] =	sbarrier.arrive $0xFFFF  }
0xe9: {  	p0 =	sne.s32 s0, $0x0;
	s0 =	rddreg [dreg:$0x3]  }
0xea: {  	s0 =	sadd.s32 @!p0 $0x100000, s0  }
0xeb: {  	[sflag:s0] =	ssyncadd.tile.s32 @!p0 $0x1;
	_ =	shalt  }
.Lfunc_end2:
_tile_overlayer_lowered:
.L_overlay_start_2:
0xec: {  	(tag) =	ssettag $0x2  }
0xed: {  	s0 =	rddreg [dreg:$0x0];
	s2 =	stileid.u32  }
0xee: {  	s1 =	rddreg [dreg:$0x1];
	p0 =	sne.s32 s2, $0x0  }
0xef: {  	s3 =	rddreg [dreg:$0x2];
	[bflag:$0x3] =	sbarrier.arrive $0xFFFF;
	s2 =	simm.s32 @!p0 $0x1C09  }
0xf0: {  	[timem:s3], [sflag:s2] =	dma.local @!p0 [hbm:s0], s1  }
0xf1: {  	s0 =	simm.s32 @!p0 $0x9  }
0xf2: {  	_ =	swait.ge @!p0 [sflag:s0], s1  }
0xf3: {  	s1 =	ssub.s32 @!p0 $0x0, s1;
	[sflag:s0] =	ssyncset.done @!p0 $0x0  }
0xf4: {  	[sflag:s0] =	ssyncadd.s32 @!p0 s1  }
0xf5: {  	[bflag:$0x3] =	sbarrier.arrive $0xFFFF  }
0xf6: {  	_ =	shalt  }

</sc_bundles>
